<compile_context>
chip_gen: v7x
topology: tpu7x:2x2x1
jax: 0.10.2.dev20260603
libtpu: 0.0.44.dev20260713+nightly
codegen_flags: <defaults>
</compile_context>

<pallas_src>
import functools

import jax
import jax.numpy as jnp
from jax import lax
from jax.experimental import pallas as pl
from jax.experimental.pallas import tpu as pltpu
from jax.experimental.pallas import tpu_sc as plsc

BEAM = 16
EOS = 2
MINUS_INF = -1e20
NEG_HUGE = -3.0e38
CHUNK = 1024
BIG = 1 << 30
NCPAD = 128


def _tc_body(nc, vocab, qw, x1_ref, x2_ref, x3_ref, x4_ref, seq_ref,
             tok_ref, cmadj_ref, stats_ref):
    tail = vocab - (nc - 1) * CHUNK
    ncq = qw // CHUNK
    seqc = seq_ref[0]
    finc = tok_ref[0] == EOS
    refs = [x1_ref, x2_ref, x3_ref, x4_ref]

    cms = []
    for j in range(nc):
        w = CHUNK if j < nc - 1 else tail
        q = j // ncq
        lo = (j - q * ncq) * CHUNK
        cms.append(jnp.max(refs[q][:, lo:lo + w], axis=1))
    cm = jnp.stack(cms, axis=1)
    m = jnp.max(cm, axis=1, keepdims=True)
    s = jnp.zeros((BEAM, 1), jnp.float32)
    for q in range(4):
        wq = min(qw, vocab - q * qw)
        s = s + jnp.sum(jnp.exp(refs[q][:, :wq] - m), axis=1, keepdims=True)
    logs = jnp.log(s)

    adj = ((cm - m) - logs) + seqc
    adj = jnp.where(finc, MINUS_INF, adj)
    col = jax.lax.broadcasted_iota(jnp.int32, (BEAM, nc), 1)
    adj = jnp.where((col == 0) & finc, seqc, adj)
    pad = jnp.full((BEAM, NCPAD - nc), NEG_HUGE, jnp.float32)
    cmadj_ref[0] = jnp.concatenate([adj, pad], axis=1)

    finf = finc.astype(jnp.float32)
    zero = jnp.zeros((BEAM, 4), jnp.float32)
    st = jnp.concatenate([m, logs, seqc, finf, zero], axis=1).T
    stats_ref[0] = jnp.concatenate(
        [st, jnp.zeros((8, 128 - BEAM), jnp.float32)], axis=1)


def _sc_body(nc, vocab, x_hbm, cmadj_hbm, stats_hbm,
             vals_hbm, preds_hbm, toks_hbm,
             cm_v, stats_v, maxv_v, buf_v, ov_v, op_v, ot_v):
    tail = vocab - (nc - 1) * CHUNK
    b = lax.axis_index("c") * 16 + lax.axis_index("s")
    pltpu.sync_copy(cmadj_hbm.at[b], cm_v)
    pltpu.sync_copy(stats_hbm.at[b], stats_v)
    iota16 = lax.iota(jnp.int32, 16)

    def initstep(i, _):
        r = i >> 3
        jj = i & 7
        maxv_v[i] = jnp.max(cm_v[r, pl.ds(jj * 16, 16)])
        return 0

    lax.fori_loop(0, NCPAD, initstep, 0)

    def ext(k, carry):
        ov, op, ot = carry

        def amax(i, c):
            bv, bi = c
            xv = maxv_v[i]
            better = xv > bv
            return (jnp.where(better, xv, bv), jnp.where(better, i, bi))

        v, istar = lax.fori_loop(
            0, NCPAD, amax, (jnp.float32(NEG_HUGE), jnp.int32(0)), unroll=8)
        rstar = istar >> 3
        jjstar = istar & 7
        sl = cm_v[rstar, pl.ds(jjstar * 16, 16)]
        lane = jnp.min(jnp.where(sl == v, iota16, BIG))
        jstar = jjstar * 16 + lane

        rsel = iota16 == rstar
        mr = jnp.sum(jnp.where(rsel, stats_v[0, pl.ds(0, 16)], 0.0))
        lr = jnp.sum(jnp.where(rsel, stats_v[1, pl.ds(0, 16)], 0.0))
        sr = jnp.sum(jnp.where(rsel, stats_v[2, pl.ds(0, 16)], 0.0))
        fin = jnp.sum(jnp.where(rsel, stats_v[3, pl.ds(0, 16)], 0.0)) > 0.5

        def fin_case(_):
            return jnp.int32(EOS), jnp.float32(MINUS_INF)

        def scan_case(_):
            base = jstar * CHUNK
            row = b * 16 + rstar
            row8 = pl.multiple_of((row >> 3) << 3, 8)
            subrow = row & 7

            tailp = -(-tail // 128) * 128

            def copy_tail(_):
                pltpu.sync_copy(
                    x_hbm.at[pl.ds(row8, 8), pl.ds(base, tailp)],
                    buf_v.at[:, pl.ds(0, tailp)])
                return jnp.int32(0)

            def copy_full(_):
                pltpu.sync_copy(
                    x_hbm.at[pl.ds(row8, 8), pl.ds(base, CHUNK)], buf_v)
                return jnp.int32(0)

            lax.cond(jstar == nc - 1, copy_tail, copy_full, 0)

            def sw(c, sc_carry):
                kmin, m2, cnt = sc_carry
                xv = buf_v[subrow, pl.ds(c * 16, 16)]
                gcol = base + c * 16 + iota16
                sc = ((xv - mr) - lr) + sr
                sc = jnp.where(gcol < vocab, sc, NEG_HUGE)
                iseq = sc == v
                kmin = jnp.minimum(kmin, jnp.where(iseq, gcol, BIG))
                cnt = cnt + jnp.where(iseq, 1, 0)
                m2 = jnp.maximum(m2, jnp.where(sc < v, sc, NEG_HUGE))
                return kmin, m2, cnt

            kmin, m2, cnt = lax.fori_loop(
                0, CHUNK // 16, sw,
                (jnp.full((16,), BIG, jnp.int32),
                 jnp.full((16,), NEG_HUGE, jnp.float32),
                 jnp.zeros((16,), jnp.int32)),
                unroll=4)
            cstar = jnp.min(kmin)
            ncnt = jnp.sum(cnt)
            nmax = jnp.where(ncnt > 1, v, jnp.max(m2))
            return cstar, nmax

        cstar, nmax = lax.cond(fin, fin_case, scan_case, 0)

        slot = pl.ds(jjstar * 16, 16)
        upd = jnp.where(iota16 == lane, nmax, cm_v[rstar, slot])
        cm_v[rstar, slot] = upd
        maxv_v[istar] = jnp.max(upd)

        sel = iota16 == k
        ov = jnp.where(sel, v, ov)
        op = jnp.where(sel, rstar, op)
        ot = jnp.where(sel, cstar, ot)
        return ov, op, ot

    ov, op, ot = lax.fori_loop(
        0, BEAM, ext,
        (jnp.zeros((16,), jnp.float32),
         jnp.zeros((16,), jnp.int32),
         jnp.zeros((16,), jnp.int32)))
    ov_v[0, pl.ds(0, 16)] = ov
    op_v[0, pl.ds(0, 16)] = op
    ot_v[0, pl.ds(0, 16)] = ot
    pltpu.sync_copy(ov_v, vals_hbm.at[b])
    pltpu.sync_copy(op_v, preds_hbm.at[b])
    pltpu.sync_copy(ot_v, toks_hbm.at[b])


def kernel(log_probs, sequence_scores, inp_tokens):
    rows, vocab = log_probs.shape
    b = rows // BEAM
    nc = -(-vocab // CHUNK)
    seq3 = sequence_scores.reshape(b, BEAM, 1)
    tok3 = inp_tokens.astype(jnp.int32).reshape(b, BEAM, 1)
    col = pl.BlockSpec((1, BEAM, 1), lambda i: (i, 0, 0))
    qw = 26624
    xspec = lambda q: pl.BlockSpec((BEAM, qw), lambda i, _q=q: (i, _q))
    cmadj, stats = pl.pallas_call(
        functools.partial(_tc_body, nc, vocab, qw),
        grid=(b,),
        in_specs=[
            xspec(0), xspec(1), xspec(2), xspec(3),
            col, col,
        ],
        out_specs=[
            pl.BlockSpec((1, BEAM, NCPAD), lambda i: (i, 0, 0)),
            pl.BlockSpec((1, 8, 128), lambda i: (i, 0, 0)),
        ],
        out_shape=[
            jax.ShapeDtypeStruct((b, BEAM, NCPAD), jnp.float32),
            jax.ShapeDtypeStruct((b, 8, 128), jnp.float32),
        ],
        compiler_params=pltpu.CompilerParams(
            dimension_semantics=("arbitrary",)),
    )(log_probs, log_probs, log_probs, log_probs, seq3, tok3)

    mesh = plsc.VectorSubcoreMesh(core_axis_name="c", subcore_axis_name="s")
    sck = functools.partial(
        pl.kernel,
        mesh=mesh,
        compiler_params=pltpu.CompilerParams(needs_layout_passes=False),
        out_type=[
            jax.ShapeDtypeStruct((b, 8, 128), jnp.float32),
            jax.ShapeDtypeStruct((b, 8, 128), jnp.int32),
            jax.ShapeDtypeStruct((b, 8, 128), jnp.int32),
        ],
        scratch_types=[
            pltpu.VMEM((BEAM, NCPAD), jnp.float32),
            pltpu.VMEM((8, 128), jnp.float32),
            pltpu.SMEM((NCPAD,), jnp.float32),
            pltpu.VMEM((8, CHUNK), jnp.float32),
            pltpu.VMEM((8, 128), jnp.float32),
            pltpu.VMEM((8, 128), jnp.int32),
            pltpu.VMEM((8, 128), jnp.int32),
        ],
    )(functools.partial(_sc_body, nc, vocab))
    vals, preds, toks = sck(log_probs, cmadj, stats)
    return vals[:, 0, :BEAM], preds[:, 0, :BEAM], toks[:, 0, :BEAM]

# --- scband reference (transcript-rebuilt; emitter-appended) ---
"""Pipeline reference for scband-s2-sbeam-searcher-13151189861169 (READ-ONLY COPY).

The authoritative reference and input builder live on the scoring server;
editing this copy changes nothing except your own understanding.
"""

import jax, jax.numpy as jnp
import numpy as np

B = 32
BEAM = 16
VOCAB = 100000
EOS = 2
MINUS_INF = -1e20


def setup_inputs(seed: int = 0) -> dict:
    key = jax.random.key(seed)
    k1, k2, k3 = jax.random.split(key, 3)
    log_probs = jax.random.normal(k1, (B * BEAM, VOCAB), dtype=jnp.float32)
    sequence_scores = jax.random.normal(k2, (B * BEAM,), dtype=jnp.float32)
    inp_tokens = jax.random.randint(k3, (B * BEAM,), 0, VOCAB)
    return {
        "log_probs": log_probs,
        "sequence_scores": sequence_scores,
        "inp_tokens": inp_tokens,
    }


def reference(log_probs, sequence_scores, inp_tokens):
    # One step of S2SBeamSearcher: normalize decoder logits to log-probs,
    # mask finished hypotheses (mask_by_condition semantics), add running
    # sequence scores, flatten over (beam, vocab) and take top-beam.
    lp = jax.nn.log_softmax(log_probs, axis=-1)
    # Finished beams (last token == eos): all continuations get -inf except
    # eos->eos which keeps score unchanged (fill 0).
    finished = (inp_tokens == EOS)
    lp = jnp.where(finished[:, None], MINUS_INF, lp)
    eos_col = jnp.where(finished, 0.0, lp[:, EOS])
    lp = lp.at[:, EOS].set(eos_col)
    scores = sequence_scores[:, None] + lp  # [B*BEAM, VOCAB]
    scores_flat = scores.reshape(B, BEAM * VOCAB)
    _, idx = jax.lax.top_k(scores_flat, BEAM)
    topk_scores = jnp.take_along_axis(scores_flat, idx, axis=1)
    predecessors = (idx // VOCAB).astype(jnp.int32)
    token_ids = (idx % VOCAB).astype(jnp.int32)
    return topk_scores, predecessors, token_ids

if __name__ == "__main__":
    import jax
    _d = setup_inputs()
    print(jax.jit(kernel)(*tuple(_d.values())))

</pallas_src>

<mosaic_0001>
#map = affine_map<(d0, d1) -> (0, 0)>
#map1 = affine_map<(d0, d1) -> (0, 0, 0)>
module attributes {stable_mosaic.version = 14 : i64} {
  func.func @_sc_body(%arg0: i32, %arg1: i32, %arg2: memref<512x100000xf32, #tpu.memory_space<hbm>>, %arg3: memref<32x16x128xf32, #tpu.memory_space<hbm>>, %arg4: memref<32x8x128xf32, #tpu.memory_space<hbm>>, %arg5: memref<32x8x128xf32, #tpu.memory_space<hbm>>, %arg6: memref<32x8x128xi32, #tpu.memory_space<hbm>>, %arg7: memref<32x8x128xi32, #tpu.memory_space<hbm>>, %arg8: memref<16x128xf32, #tpu.memory_space<vmem>>, %arg9: memref<8x128xf32, #tpu.memory_space<vmem>>, %arg10: memref<128xf32, #tpu.memory_space<smem>>, %arg11: memref<8x1024xf32, #tpu.memory_space<vmem>>, %arg12: memref<8x128xf32, #tpu.memory_space<vmem>>, %arg13: memref<8x128xi32, #tpu.memory_space<vmem>>, %arg14: memref<8x128xi32, #tpu.memory_space<vmem>>) attributes {dimension_semantics = [#tpu.dimension_semantics<core_parallel>, #tpu.dimension_semantics<subcore_parallel>], iteration_bounds = array<i64: 2, 16>, scalar_prefetch = 0 : i64, scratch_operands = 7 : i64, tpu.core_type = #tpu.core_type<sc_vector_subcore>, window_params = [{transform_indices = #map}, {transform_indices = #map1}, {transform_indices = #map1}, {transform_indices = #map1}, {transform_indices = #map1}, {transform_indices = #map1}]} {
    %mul3A = arith.constant 16 : i32
    %mul3A_0 = arith.muli %arg0, %mul3A : i32
    %add3A = arith.addi %mul3A_0, %arg1 : i32
    "tpu.region"() ({
      %run_scoped3A = tpu.sem_alloc : memref<!tpu.dma_semaphore, #tpu.memory_space<semaphore_mem>>
      %dma_start3A = arith.constant 0 : i32
      %dma_start3A_29 = arith.constant 0 : i32
      %dma_start3A_30 = tpu.memref_slice %arg3[%add3A, %dma_start3A, %dma_start3A_29] : memref<32x16x128xf32, #tpu.memory_space<hbm>> -> memref<1x16x128xf32, #tpu.memory_space<hbm>>
      %dma_start3A_31 = tpu.memref_squeeze %dma_start3A_30 : memref<1x16x128xf32, #tpu.memory_space<hbm>> -> memref<16x128xf32, #tpu.memory_space<hbm>>
      %dma_start3A_32 = arith.constant 0 : i32
      %dma_start3A_33 = arith.constant 0 : i32
      %dma_start3A_34 = tpu.memref_slice %arg3[%add3A, %dma_start3A_32, %dma_start3A_33] : memref<32x16x128xf32, #tpu.memory_space<hbm>> -> memref<1x16x128xf32, #tpu.memory_space<hbm>>
      %dma_start3A_35 = tpu.memref_squeeze %dma_start3A_34 : memref<1x16x128xf32, #tpu.memory_space<hbm>> -> memref<16x128xf32, #tpu.memory_space<hbm>>
      tpu.enqueue_dma source(%dma_start3A_35 : memref<16x128xf32, #tpu.memory_space<hbm>>) target(%arg8 : memref<16x128xf32, #tpu.memory_space<vmem>>) target_semaphore(%run_scoped3A : memref<!tpu.dma_semaphore, #tpu.memory_space<semaphore_mem>>)
      %dma_wait3A = arith.constant 0 : i32
      %dma_wait3A_36 = arith.constant 0 : i32
      %dma_wait3A_37 = tpu.memref_slice %arg3[%add3A, %dma_wait3A, %dma_wait3A_36] : memref<32x16x128xf32, #tpu.memory_space<hbm>> -> memref<1x16x128xf32, #tpu.memory_space<hbm>>
      %dma_wait3A_38 = tpu.memref_squeeze %dma_wait3A_37 : memref<1x16x128xf32, #tpu.memory_space<hbm>> -> memref<16x128xf32, #tpu.memory_space<hbm>>
      %dma_wait3A_39 = arith.constant 0 : i32
      %dma_wait3A_40 = arith.constant 0 : i32
      %dma_wait3A_41 = tpu.memref_slice %arg3[%add3A, %dma_wait3A_39, %dma_wait3A_40] : memref<32x16x128xf32, #tpu.memory_space<hbm>> -> memref<1x16x128xf32, #tpu.memory_space<hbm>>
      %dma_wait3A_42 = tpu.memref_squeeze %dma_wait3A_41 : memref<1x16x128xf32, #tpu.memory_space<hbm>> -> memref<16x128xf32, #tpu.memory_space<hbm>>
      tpu.wait_dma2 semaphore(%run_scoped3A : memref<!tpu.dma_semaphore, #tpu.memory_space<semaphore_mem>>) src(%dma_wait3A_42 : memref<16x128xf32, #tpu.memory_space<hbm>>) dst(%arg8 : memref<16x128xf32, #tpu.memory_space<vmem>>)
      tpu.yield
    }) : () -> ()
    "tpu.region"() ({
      %run_scoped3A = tpu.sem_alloc : memref<!tpu.dma_semaphore, #tpu.memory_space<semaphore_mem>>
      %dma_start3A = arith.constant 0 : i32
      %dma_start3A_29 = arith.constant 0 : i32
      %dma_start3A_30 = tpu.memref_slice %arg4[%add3A, %dma_start3A, %dma_start3A_29] : memref<32x8x128xf32, #tpu.memory_space<hbm>> -> memref<1x8x128xf32, #tpu.memory_space<hbm>>
      %dma_start3A_31 = tpu.memref_squeeze %dma_start3A_30 : memref<1x8x128xf32, #tpu.memory_space<hbm>> -> memref<8x128xf32, #tpu.memory_space<hbm>>
      %dma_start3A_32 = arith.constant 0 : i32
      %dma_start3A_33 = arith.constant 0 : i32
      %dma_start3A_34 = tpu.memref_slice %arg4[%add3A, %dma_start3A_32, %dma_start3A_33] : memref<32x8x128xf32, #tpu.memory_space<hbm>> -> memref<1x8x128xf32, #tpu.memory_space<hbm>>
      %dma_start3A_35 = tpu.memref_squeeze %dma_start3A_34 : memref<1x8x128xf32, #tpu.memory_space<hbm>> -> memref<8x128xf32, #tpu.memory_space<hbm>>
      tpu.enqueue_dma source(%dma_start3A_35 : memref<8x128xf32, #tpu.memory_space<hbm>>) target(%arg9 : memref<8x128xf32, #tpu.memory_space<vmem>>) target_semaphore(%run_scoped3A : memref<!tpu.dma_semaphore, #tpu.memory_space<semaphore_mem>>)
      %dma_wait3A = arith.constant 0 : i32
      %dma_wait3A_36 = arith.constant 0 : i32
      %dma_wait3A_37 = tpu.memref_slice %arg4[%add3A, %dma_wait3A, %dma_wait3A_36] : memref<32x8x128xf32, #tpu.memory_space<hbm>> -> memref<1x8x128xf32, #tpu.memory_space<hbm>>
      %dma_wait3A_38 = tpu.memref_squeeze %dma_wait3A_37 : memref<1x8x128xf32, #tpu.memory_space<hbm>> -> memref<8x128xf32, #tpu.memory_space<hbm>>
      %dma_wait3A_39 = arith.constant 0 : i32
      %dma_wait3A_40 = arith.constant 0 : i32
      %dma_wait3A_41 = tpu.memref_slice %arg4[%add3A, %dma_wait3A_39, %dma_wait3A_40] : memref<32x8x128xf32, #tpu.memory_space<hbm>> -> memref<1x8x128xf32, #tpu.memory_space<hbm>>
      %dma_wait3A_42 = tpu.memref_squeeze %dma_wait3A_41 : memref<1x8x128xf32, #tpu.memory_space<hbm>> -> memref<8x128xf32, #tpu.memory_space<hbm>>
      tpu.wait_dma2 semaphore(%run_scoped3A : memref<!tpu.dma_semaphore, #tpu.memory_space<semaphore_mem>>) src(%dma_wait3A_42 : memref<8x128xf32, #tpu.memory_space<hbm>>) dst(%arg9 : memref<8x128xf32, #tpu.memory_space<vmem>>)
      tpu.yield
    }) : () -> ()
    %iota3A = tpu.iota {dimensions = array<i32: 0>} : vector<16xi32>
    %scan3A = arith.constant 0 : i32
    %scan3A_1 = arith.constant 0 : i32
    %scan3A_2 = arith.constant 128 : i32
    %scan3A_3 = arith.addi %scan3A_1, %scan3A_2 : i32
    %scan3A_4 = arith.constant 1 : i32
    %scan3A_5 = scf.for %scan3A_29 = %scan3A_1 to %scan3A_3 step %scan3A_4 iter_args(%scan3A_30 = %scan3A) -> (i32)  : i32 {
      %shift_right_arithmetic3A = arith.constant 3 : i32
      %shift_right_arithmetic3A_31 = arith.shrsi %scan3A_29, %shift_right_arithmetic3A : i32
      %and3A = arith.constant 7 : i32
      %and3A_32 = arith.andi %scan3A_29, %and3A : i32
      %mul3A_33 = arith.constant 16 : i32
      %mul3A_34 = arith.muli %and3A_32, %mul3A_33 : i32
      %get3A = arith.index_cast %shift_right_arithmetic3A_31 : i32 to index
      %get3A_35 = arith.index_cast %mul3A_34 : i32 to index
      %get3A_36 = tpu.vector_load %arg8[%get3A, %get3A_35] {strides = array<i32>} : memref<16x128xf32, #tpu.memory_space<vmem>>, vector<16xf32>,
      %reduce_max3A = arith.constant true
      %reduce_max3A_37 = vector.broadcast %reduce_max3A : i1 to vector<16xi1>
      %reduce_max3A_38 = tpu.scan <max>, %get3A_36 masked %reduce_max3A_37 : vector<16xf32>, vector<16xi1> -> vector<16xf32>
      %reduce_max3A_39 = vector.extract %reduce_max3A_38[15] : f32 from vector<16xf32>
      %swap3A_40 = arith.index_cast %scan3A_29 : i32 to index
      %swap3A_41 = memref.load %arg10[%swap3A_40] : memref<128xf32, #tpu.memory_space<smem>>
      memref.store %reduce_max3A_39, %arg10[%swap3A_40] : memref<128xf32, #tpu.memory_space<smem>>
      %scan3A_42 = arith.constant 0 : i32
      scf.yield %scan3A_42 : i32
    }
    %scan3A_6 = arith.constant 128 : i32
    %broadcast_in_dim3A = arith.constant 0.000000e+00 : f32
    %broadcast_in_dim3A_7 = vector.broadcast %broadcast_in_dim3A : f32 to vector<16xf32>
    %broadcast_in_dim3A_8 = arith.constant 0 : i32
    %broadcast_in_dim3A_9 = vector.broadcast %broadcast_in_dim3A_8 : i32 to vector<16xi32>
    %broadcast_in_dim3A_10 = arith.constant 0 : i32
    %broadcast_in_dim3A_11 = vector.broadcast %broadcast_in_dim3A_10 : i32 to vector<16xi32>
    %scan3A_12 = arith.constant 0 : i32
    %scan3A_13 = arith.constant 16 : i32
    %scan3A_14 = arith.addi %scan3A_12, %scan3A_13 : i32
    %scan3A_15 = arith.constant 1 : i32
    %scan3A_16:3 = scf.for %scan3A_29 = %scan3A_12 to %scan3A_14 step %scan3A_15 iter_args(%scan3A_30 = %broadcast_in_dim3A_7, %scan3A_31 = %broadcast_in_dim3A_9, %scan3A_32 = %broadcast_in_dim3A_11) -> (vector<16xf32>, vector<16xi32>, vector<16xi32>)  : i32 {
      %scan3A_33 = arith.constant -3.000000e+38 : f32
      %scan3A_34 = arith.constant 0 : i32
      %scan3A_35 = arith.constant 0 : i32
      %scan3A_36 = arith.constant 128 : i32
      %scan3A_37 = arith.addi %scan3A_35, %scan3A_36 : i32
      %scan3A_38 = arith.constant 8 : i32
      %scan3A_39:2 = scf.for %scan3A_133 = %scan3A_35 to %scan3A_37 step %scan3A_38 iter_args(%scan3A_134 = %scan3A_33, %scan3A_135 = %scan3A_34) -> (f32, i32)  : i32 {
        %get3A_136 = arith.index_cast %scan3A_133 : i32 to index
        %get3A_137 = memref.load %arg10[%get3A_136] : memref<128xf32, #tpu.memory_space<smem>>
        %gt3A_138 = arith.cmpf ogt, %get3A_137, %scan3A_134 : f32
        %select_n3A_139 = arith.select %gt3A_138, %get3A_137, %scan3A_134 : f32
        %select_n3A_140 = arith.select %gt3A_138, %scan3A_133, %scan3A_135 : i32
        %scan3A_141 = arith.constant 1 : i32
        %scan3A_142 = arith.addi %scan3A_133, %scan3A_141 : i32
        %get3A_143 = arith.index_cast %scan3A_142 : i32 to index
        %get3A_144 = memref.load %arg10[%get3A_143] : memref<128xf32, #tpu.memory_space<smem>>
        %gt3A_145 = arith.cmpf ogt, %get3A_144, %select_n3A_139 : f32
        %select_n3A_146 = arith.select %gt3A_145, %get3A_144, %select_n3A_139 : f32
        %select_n3A_147 = arith.select %gt3A_145, %scan3A_142, %select_n3A_140 : i32
        %scan3A_148 = arith.constant 2 : i32
        %scan3A_149 = arith.addi %scan3A_133, %scan3A_148 : i32
        %get3A_150 = arith.index_cast %scan3A_149 : i32 to index
        %get3A_151 = memref.load %arg10[%get3A_150] : memref<128xf32, #tpu.memory_space<smem>>
        %gt3A_152 = arith.cmpf ogt, %get3A_151, %select_n3A_146 : f32
        %select_n3A_153 = arith.select %gt3A_152, %get3A_151, %select_n3A_146 : f32
        %select_n3A_154 = arith.select %gt3A_152, %scan3A_149, %select_n3A_147 : i32
        %scan3A_155 = arith.constant 3 : i32
        %scan3A_156 = arith.addi %scan3A_133, %scan3A_155 : i32
        %get3A_157 = arith.index_cast %scan3A_156 : i32 to index
        %get3A_158 = memref.load %arg10[%get3A_157] : memref<128xf32, #tpu.memory_space<smem>>
        %gt3A_159 = arith.cmpf ogt, %get3A_158, %select_n3A_153 : f32
        %select_n3A_160 = arith.select %gt3A_159, %get3A_158, %select_n3A_153 : f32
        %select_n3A_161 = arith.select %gt3A_159, %scan3A_156, %select_n3A_154 : i32
        %scan3A_162 = arith.constant 4 : i32
        %scan3A_163 = arith.addi %scan3A_133, %scan3A_162 : i32
        %get3A_164 = arith.index_cast %scan3A_163 : i32 to index
        %get3A_165 = memref.load %arg10[%get3A_164] : memref<128xf32, #tpu.memory_space<smem>>
        %gt3A_166 = arith.cmpf ogt, %get3A_165, %select_n3A_160 : f32
        %select_n3A_167 = arith.select %gt3A_166, %get3A_165, %select_n3A_160 : f32
        %select_n3A_168 = arith.select %gt3A_166, %scan3A_163, %select_n3A_161 : i32
        %scan3A_169 = arith.constant 5 : i32
        %scan3A_170 = arith.addi %scan3A_133, %scan3A_169 : i32
        %get3A_171 = arith.index_cast %scan3A_170 : i32 to index
        %get3A_172 = memref.load %arg10[%get3A_171] : memref<128xf32, #tpu.memory_space<smem>>
        %gt3A_173 = arith.cmpf ogt, %get3A_172, %select_n3A_167 : f32
        %select_n3A_174 = arith.select %gt3A_173, %get3A_172, %select_n3A_167 : f32
        %select_n3A_175 = arith.select %gt3A_173, %scan3A_170, %select_n3A_168 : i32
        %scan3A_176 = arith.constant 6 : i32
        %scan3A_177 = arith.addi %scan3A_133, %scan3A_176 : i32
        %get3A_178 = arith.index_cast %scan3A_177 : i32 to index
        %get3A_179 = memref.load %arg10[%get3A_178] : memref<128xf32, #tpu.memory_space<smem>>
        %gt3A_180 = arith.cmpf ogt, %get3A_179, %select_n3A_174 : f32
        %select_n3A_181 = arith.select %gt3A_180, %get3A_179, %select_n3A_174 : f32
        %select_n3A_182 = arith.select %gt3A_180, %scan3A_177, %select_n3A_175 : i32
        %scan3A_183 = arith.constant 7 : i32
        %scan3A_184 = arith.addi %scan3A_133, %scan3A_183 : i32
        %get3A_185 = arith.index_cast %scan3A_184 : i32 to index
        %get3A_186 = memref.load %arg10[%get3A_185] : memref<128xf32, #tpu.memory_space<smem>>
        %gt3A_187 = arith.cmpf ogt, %get3A_186, %select_n3A_181 : f32
        %select_n3A_188 = arith.select %gt3A_187, %get3A_186, %select_n3A_181 : f32
        %select_n3A_189 = arith.select %gt3A_187, %scan3A_184, %select_n3A_182 : i32
        scf.yield %select_n3A_188, %select_n3A_189 : f32, i32
      }
      %scan3A_40 = arith.constant 128 : i32
      %shift_right_arithmetic3A = arith.constant 3 : i32
      %shift_right_arithmetic3A_41 = arith.shrsi %scan3A_39#1, %shift_right_arithmetic3A : i32
      %and3A = arith.constant 7 : i32
      %and3A_42 = arith.andi %scan3A_39#1, %and3A : i32
      %mul3A_43 = arith.constant 16 : i32
      %mul3A_44 = arith.muli %and3A_42, %mul3A_43 : i32
      %get3A = arith.index_cast %shift_right_arithmetic3A_41 : i32 to index
      %get3A_45 = arith.index_cast %mul3A_44 : i32 to index
      %get3A_46 = tpu.vector_load %arg8[%get3A, %get3A_45] {strides = array<i32>} : memref<16x128xf32, #tpu.memory_space<vmem>>, vector<16xf32>,
      %eq3A = vector.broadcast %scan3A_39#0 : f32 to vector<16xf32>
      %eq3A_47 = arith.cmpf oeq, %get3A_46, %eq3A : vector<16xf32>
      %jit3A = arith.constant 1073741824 : i32
      %broadcast_in_dim3A_48 = vector.broadcast %jit3A : i32 to vector<16xi32>
      %select_n3A = arith.select %eq3A_47, %iota3A, %broadcast_in_dim3A_48 : vector<16xi1>, vector<16xi32>
      %reduce_min3A = arith.constant true
      %reduce_min3A_49 = vector.broadcast %reduce_min3A : i1 to vector<16xi1>
      %reduce_min3A_50 = arith.constant -2147483648 : i32
      %reduce_min3A_51 = vector.broadcast %reduce_min3A_50 : i32 to vector<16xi32>
      %reduce_min3A_52 = arith.xori %select_n3A, %reduce_min3A_51 : vector<16xi32>
      %reduce_min3A_53 = tpu.scan <min>, %reduce_min3A_52 masked %reduce_min3A_49 : vector<16xi32>, vector<16xi1> -> vector<16xi32>
      %reduce_min3A_54 = arith.xori %reduce_min3A_53, %reduce_min3A_51 : vector<16xi32>
      %reduce_min3A_55 = vector.extract %reduce_min3A_54[15] : i32 from vector<16xi32>
      %mul3A_56 = arith.constant 16 : i32
      %mul3A_57 = arith.muli %and3A_42, %mul3A_56 : i32
      %add3A_58 = arith.addi %mul3A_57, %reduce_min3A_55 : i32
      %eq3A_59 = vector.broadcast %shift_right_arithmetic3A_41 : i32 to vector<16xi32>
      %eq3A_60 = arith.cmpi eq, %iota3A, %eq3A_59 : vector<16xi32>
      %get3A_61 = arith.constant 0 : i32
      %get3A_62 = arith.index_cast %get3A_61 : i32 to index
      %get3A_63 = arith.constant 0 : index
      %get3A_64 = tpu.vector_load %arg9[%get3A_62, %get3A_63] {strides = array<i32>} : memref<8x128xf32, #tpu.memory_space<vmem>>, vector<16xf32>,
      %jit3A_65 = arith.constant 0.000000e+00 : f32
      %broadcast_in_dim3A_66 = vector.broadcast %jit3A_65 : f32 to vector<16xf32>
      %select_n3A_67 = arith.select %eq3A_60, %get3A_64, %broadcast_in_dim3A_66 : vector<16xi1>, vector<16xf32>
      %reduce_sum3A = arith.constant true
      %reduce_sum3A_68 = vector.broadcast %reduce_sum3A : i1 to vector<16xi1>
      %reduce_sum3A_69 = tpu.scan <sum>, %select_n3A_67 masked %reduce_sum3A_68 : vector<16xf32>, vector<16xi1> -> vector<16xf32>
      %reduce_sum3A_70 = vector.extract %reduce_sum3A_69[15] : f32 from vector<16xf32>
      %get3A_71 = arith.constant 1 : i32
      %get3A_72 = arith.index_cast %get3A_71 : i32 to index
      %get3A_73 = arith.constant 0 : index
      %get3A_74 = tpu.vector_load %arg9[%get3A_72, %get3A_73] {strides = array<i32>} : memref<8x128xf32, #tpu.memory_space<vmem>>, vector<16xf32>,
      %jit3A_75 = arith.constant 0.000000e+00 : f32
      %broadcast_in_dim3A_76 = vector.broadcast %jit3A_75 : f32 to vector<16xf32>
      %select_n3A_77 = arith.select %eq3A_60, %get3A_74, %broadcast_in_dim3A_76 : vector<16xi1>, vector<16xf32>
      %reduce_sum3A_78 = arith.constant true
      %reduce_sum3A_79 = vector.broadcast %reduce_sum3A_78 : i1 to vector<16xi1>
      %reduce_sum3A_80 = tpu.scan <sum>, %select_n3A_77 masked %reduce_sum3A_79 : vector<16xf32>, vector<16xi1> -> vector<16xf32>
      %reduce_sum3A_81 = vector.extract %reduce_sum3A_80[15] : f32 from vector<16xf32>
      %get3A_82 = arith.constant 2 : i32
      %get3A_83 = arith.index_cast %get3A_82 : i32 to index
      %get3A_84 = arith.constant 0 : index
      %get3A_85 = tpu.vector_load %arg9[%get3A_83, %get3A_84] {strides = array<i32>} : memref<8x128xf32, #tpu.memory_space<vmem>>, vector<16xf32>,
      %jit3A_86 = arith.constant 0.000000e+00 : f32
      %broadcast_in_dim3A_87 = vector.broadcast %jit3A_86 : f32 to vector<16xf32>
      %select_n3A_88 = arith.select %eq3A_60, %get3A_85, %broadcast_in_dim3A_87 : vector<16xi1>, vector<16xf32>
      %reduce_sum3A_89 = arith.constant true
      %reduce_sum3A_90 = vector.broadcast %reduce_sum3A_89 : i1 to vector<16xi1>
      %reduce_sum3A_91 = tpu.scan <sum>, %select_n3A_88 masked %reduce_sum3A_90 : vector<16xf32>, vector<16xi1> -> vector<16xf32>
      %reduce_sum3A_92 = vector.extract %reduce_sum3A_91[15] : f32 from vector<16xf32>
      %get3A_93 = arith.constant 3 : i32
      %get3A_94 = arith.index_cast %get3A_93 : i32 to index
      %get3A_95 = arith.constant 0 : index
      %get3A_96 = tpu.vector_load %arg9[%get3A_94, %get3A_95] {strides = array<i32>} : memref<8x128xf32, #tpu.memory_space<vmem>>, vector<16xf32>,
      %jit3A_97 = arith.constant 0.000000e+00 : f32
      %broadcast_in_dim3A_98 = vector.broadcast %jit3A_97 : f32 to vector<16xf32>
      %select_n3A_99 = arith.select %eq3A_60, %get3A_96, %broadcast_in_dim3A_98 : vector<16xi1>, vector<16xf32>
      %reduce_sum3A_100 = arith.constant true
      %reduce_sum3A_101 = vector.broadcast %reduce_sum3A_100 : i1 to vector<16xi1>
      %reduce_sum3A_102 = tpu.scan <sum>, %select_n3A_99 masked %reduce_sum3A_101 : vector<16xf32>, vector<16xi1> -> vector<16xf32>
      %reduce_sum3A_103 = vector.extract %reduce_sum3A_102[15] : f32 from vector<16xf32>
      %gt3A = arith.constant 5.000000e-01 : f32
      %gt3A_104 = arith.cmpf ogt, %reduce_sum3A_103, %gt3A : f32
      %convert_element_type3A = arith.extui %gt3A_104 : i1 to i32
      %cond3A = arith.constant 0 : i32
      %cond3A_105 = arith.constant 0 : i32
      %cond3A_106 = arith.cmpi ne, %convert_element_type3A, %cond3A_105 : i32
      %cond3A_107:2 = scf.if %cond3A_106 -> (i32, f32) {
        %cond3A_133 = arith.constant 2 : i32
        %cond3A_134 = arith.constant -1.000000e+20 : f32
        scf.yield %cond3A_133, %cond3A_134 : i32, f32
      } else {
        %mul3A_133 = arith.constant 1024 : i32
        %mul3A_134 = arith.muli %add3A_58, %mul3A_133 : i32
        %mul3A_135 = arith.constant 16 : i32
        %mul3A_136 = arith.muli %add3A, %mul3A_135 : i32
        %add3A_137 = arith.addi %mul3A_136, %shift_right_arithmetic3A_41 : i32
        %shift_right_arithmetic3A_138 = arith.constant 3 : i32
        %shift_right_arithmetic3A_139 = arith.shrsi %add3A_137, %shift_right_arithmetic3A_138 : i32
        %shift_left3A = arith.constant 3 : i32
        %shift_left3A_140 = arith.shli %shift_right_arithmetic3A_139, %shift_left3A : i32
        %multiple_of3A = tpu.assume_multiple %shift_left3A_140, 8 : i32
        %and3A_141 = arith.constant 7 : i32
        %and3A_142 = arith.andi %add3A_137, %and3A_141 : i32
        %eq3A_143 = arith.constant 97 : i32
        %eq3A_144 = arith.cmpi eq, %add3A_58, %eq3A_143 : i32
        %convert_element_type3A_145 = arith.extui %eq3A_144 : i1 to i32
        %cond3A_146 = arith.constant 0 : i32
        %cond3A_147 = arith.constant 0 : i32
        %cond3A_148 = arith.cmpi ne, %convert_element_type3A_145, %cond3A_147 : i32
        %cond3A_149 = scf.if %cond3A_148 -> (i32) {
          "tpu.region"() ({
            %run_scoped3A = tpu.sem_alloc : memref<!tpu.dma_semaphore, #tpu.memory_space<semaphore_mem>>
            %dma_start3A = arith.constant 0 : i32
            %dma_start3A_182 = arith.constant 0 : i32
            %dma_start3A_183 = tpu.memref_slice %arg11[%dma_start3A, %dma_start3A_182] : memref<8x1024xf32, #tpu.memory_space<vmem>> -> memref<8x768xf32, #tpu.memory_space<vmem>>
            %dma_start3A_184 = tpu.memref_slice %arg2[%multiple_of3A, %mul3A_134] : memref<512x100000xf32, #tpu.memory_space<hbm>> -> memref<8x768xf32, #tpu.memory_space<hbm>>
            %dma_start3A_185 = arith.constant 0 : i32
            %dma_start3A_186 = arith.constant 0 : i32
            %dma_start3A_187 = tpu.memref_slice %arg11[%dma_start3A_185, %dma_start3A_186] : memref<8x1024xf32, #tpu.memory_space<vmem>> -> memref<8x768xf32, #tpu.memory_space<vmem>>
            %dma_start3A_188 = tpu.memref_slice %arg2[%multiple_of3A, %mul3A_134] : memref<512x100000xf32, #tpu.memory_space<hbm>> -> memref<8x768xf32, #tpu.memory_space<hbm>>
            tpu.enqueue_dma source(%dma_start3A_188 : memref<8x768xf32, #tpu.memory_space<hbm>>) target(%dma_start3A_187 : memref<8x768xf32, #tpu.memory_space<vmem>>) target_semaphore(%run_scoped3A : memref<!tpu.dma_semaphore, #tpu.memory_space<semaphore_mem>>)
            %dma_wait3A = arith.constant 0 : i32
            %dma_wait3A_189 = arith.constant 0 : i32
            %dma_wait3A_190 = tpu.memref_slice %arg11[%dma_wait3A, %dma_wait3A_189] : memref<8x1024xf32, #tpu.memory_space<vmem>> -> memref<8x768xf32, #tpu.memory_space<vmem>>
            %dma_wait3A_191 = tpu.memref_slice %arg2[%multiple_of3A, %mul3A_134] : memref<512x100000xf32, #tpu.memory_space<hbm>> -> memref<8x768xf32, #tpu.memory_space<hbm>>
            %dma_wait3A_192 = arith.constant 0 : i32
            %dma_wait3A_193 = arith.constant 0 : i32
            %dma_wait3A_194 = tpu.memref_slice %arg11[%dma_wait3A_192, %dma_wait3A_193] : memref<8x1024xf32, #tpu.memory_space<vmem>> -> memref<8x768xf32, #tpu.memory_space<vmem>>
            %dma_wait3A_195 = tpu.memref_slice %arg2[%multiple_of3A, %mul3A_134] : memref<512x100000xf32, #tpu.memory_space<hbm>> -> memref<8x768xf32, #tpu.memory_space<hbm>>
            tpu.wait_dma2 semaphore(%run_scoped3A : memref<!tpu.dma_semaphore, #tpu.memory_space<semaphore_mem>>) src(%dma_wait3A_195 : memref<8x768xf32, #tpu.memory_space<hbm>>) dst(%dma_wait3A_194 : memref<8x768xf32, #tpu.memory_space<vmem>>)
            tpu.yield
          }) : () -> ()
          %cond3A_181 = arith.constant 0 : i32
          scf.yield %cond3A_181 : i32
        } else {
          "tpu.region"() ({
            %run_scoped3A = tpu.sem_alloc : memref<!tpu.dma_semaphore, #tpu.memory_space<semaphore_mem>>
            %dma_start3A = tpu.memref_slice %arg2[%multiple_of3A, %mul3A_134] : memref<512x100000xf32, #tpu.memory_space<hbm>> -> memref<8x1024xf32, #tpu.memory_space<hbm>>
            %dma_start3A_182 = tpu.memref_slice %arg2[%multiple_of3A, %mul3A_134] : memref<512x100000xf32, #tpu.memory_space<hbm>> -> memref<8x1024xf32, #tpu.memory_space<hbm>>
            tpu.enqueue_dma source(%dma_start3A_182 : memref<8x1024xf32, #tpu.memory_space<hbm>>) target(%arg11 : memref<8x1024xf32, #tpu.memory_space<vmem>>) target_semaphore(%run_scoped3A : memref<!tpu.dma_semaphore, #tpu.memory_space<semaphore_mem>>)
            %dma_wait3A = tpu.memref_slice %arg2[%multiple_of3A, %mul3A_134] : memref<512x100000xf32, #tpu.memory_space<hbm>> -> memref<8x1024xf32, #tpu.memory_space<hbm>>
            %dma_wait3A_183 = tpu.memref_slice %arg2[%multiple_of3A, %mul3A_134] : memref<512x100000xf32, #tpu.memory_space<hbm>> -> memref<8x1024xf32, #tpu.memory_space<hbm>>
            tpu.wait_dma2 semaphore(%run_scoped3A : memref<!tpu.dma_semaphore, #tpu.memory_space<semaphore_mem>>) src(%dma_wait3A_183 : memref<8x1024xf32, #tpu.memory_space<hbm>>) dst(%arg11 : memref<8x1024xf32, #tpu.memory_space<vmem>>)
            tpu.yield
          }) : () -> ()
          %cond3A_181 = arith.constant 0 : i32
          scf.yield %cond3A_181 : i32
        }
        %broadcast_in_dim3A_150 = arith.constant 1073741824 : i32
        %broadcast_in_dim3A_151 = vector.broadcast %broadcast_in_dim3A_150 : i32 to vector<16xi32>
        %broadcast_in_dim3A_152 = arith.constant -3.000000e+38 : f32
        %broadcast_in_dim3A_153 = vector.broadcast %broadcast_in_dim3A_152 : f32 to vector<16xf32>
        %broadcast_in_dim3A_154 = arith.constant 0 : i32
        %broadcast_in_dim3A_155 = vector.broadcast %broadcast_in_dim3A_154 : i32 to vector<16xi32>
        %scan3A_156 = arith.constant 0 : i32
        %scan3A_157 = arith.constant 64 : i32
        %scan3A_158 = arith.addi %scan3A_156, %scan3A_157 : i32
        %scan3A_159 = arith.constant 4 : i32
        %scan3A_160:3 = scf.for %scan3A_181 = %scan3A_156 to %scan3A_158 step %scan3A_159 iter_args(%scan3A_182 = %broadcast_in_dim3A_151, %scan3A_183 = %broadcast_in_dim3A_153, %scan3A_184 = %broadcast_in_dim3A_155) -> (vector<16xi32>, vector<16xf32>, vector<16xi32>)  : i32 {
          %mul3A_185 = arith.constant 16 : i32
          %mul3A_186 = arith.muli %scan3A_181, %mul3A_185 : i32
          %get3A_187 = arith.index_cast %and3A_142 : i32 to index
          %get3A_188 = arith.index_cast %mul3A_186 : i32 to index
          %get3A_189 = tpu.vector_load %arg11[%get3A_187, %get3A_188] {strides = array<i32>} : memref<8x1024xf32, #tpu.memory_space<vmem>>, vector<16xf32>,
          %mul3A_190 = arith.constant 16 : i32
          %mul3A_191 = arith.muli %scan3A_181, %mul3A_190 : i32
          %add3A_192 = arith.addi %mul3A_134, %mul3A_191 : i32
          %add3A_193 = vector.broadcast %add3A_192 : i32 to vector<16xi32>
          %add3A_194 = arith.addi %add3A_193, %iota3A : vector<16xi32>
          %sub3A = vector.broadcast %reduce_sum3A_70 : f32 to vector<16xf32>
          %sub3A_195 = arith.subf %get3A_189, %sub3A : vector<16xf32>
          %sub3A_196 = vector.broadcast %reduce_sum3A_81 : f32 to vector<16xf32>
          %sub3A_197 = arith.subf %sub3A_195, %sub3A_196 : vector<16xf32>
          %add3A_198 = vector.broadcast %reduce_sum3A_92 : f32 to vector<16xf32>
          %add3A_199 = arith.addf %sub3A_197, %add3A_198 : vector<16xf32>
          %lt3A = arith.constant 100000 : i32
          %lt3A_200 = vector.broadcast %lt3A : i32 to vector<16xi32>
          %lt3A_201 = arith.cmpi slt, %add3A_194, %lt3A_200 : vector<16xi32>
          %jit3A_202 = arith.constant -3.000000e+38 : f32
          %broadcast_in_dim3A_203 = vector.broadcast %jit3A_202 : f32 to vector<16xf32>
          %select_n3A_204 = arith.select %lt3A_201, %add3A_199, %broadcast_in_dim3A_203 : vector<16xi1>, vector<16xf32>
          %eq3A_205 = vector.broadcast %scan3A_39#0 : f32 to vector<16xf32>
          %eq3A_206 = arith.cmpf oeq, %select_n3A_204, %eq3A_205 : vector<16xf32>
          %jit3A_207 = arith.constant 1073741824 : i32
          %broadcast_in_dim3A_208 = vector.broadcast %jit3A_207 : i32 to vector<16xi32>
          %select_n3A_209 = arith.select %eq3A_206, %add3A_194, %broadcast_in_dim3A_208 : vector<16xi1>, vector<16xi32>
          %min3A = arith.minsi %scan3A_182, %select_n3A_209 : vector<16xi32>
          %jit3A_210 = arith.constant 1 : i32
          %jit3A_211 = arith.constant 0 : i32
          %broadcast_in_dim3A_212 = vector.broadcast %jit3A_210 : i32 to vector<16xi32>
          %broadcast_in_dim3A_213 = vector.broadcast %jit3A_211 : i32 to vector<16xi32>
          %select_n3A_214 = arith.select %eq3A_206, %broadcast_in_dim3A_212, %broadcast_in_dim3A_213 : vector<16xi1>, vector<16xi32>
          %add3A_215 = arith.addi %scan3A_184, %select_n3A_214 : vector<16xi32>
          %lt3A_216 = vector.broadcast %scan3A_39#0 : f32 to vector<16xf32>
          %lt3A_217 = arith.cmpf olt, %select_n3A_204, %lt3A_216 : vector<16xf32>
          %jit3A_218 = arith.constant -3.000000e+38 : f32
          %broadcast_in_dim3A_219 = vector.broadcast %jit3A_218 : f32 to vector<16xf32>
          %select_n3A_220 = arith.select %lt3A_217, %select_n3A_204, %broadcast_in_dim3A_219 : vector<16xi1>, vector<16xf32>
          %max3A = arith.maximumf %scan3A_183, %select_n3A_220 : vector<16xf32>
          %scan3A_221 = arith.constant 1 : i32
          %scan3A_222 = arith.addi %scan3A_181, %scan3A_221 : i32
          %mul3A_223 = arith.constant 16 : i32
          %mul3A_224 = arith.muli %scan3A_222, %mul3A_223 : i32
          %get3A_225 = arith.index_cast %and3A_142 : i32 to index
          %get3A_226 = arith.index_cast %mul3A_224 : i32 to index
          %get3A_227 = tpu.vector_load %arg11[%get3A_225, %get3A_226] {strides = array<i32>} : memref<8x1024xf32, #tpu.memory_space<vmem>>, vector<16xf32>,
          %mul3A_228 = arith.constant 16 : i32
          %mul3A_229 = arith.muli %scan3A_222, %mul3A_228 : i32
          %add3A_230 = arith.addi %mul3A_134, %mul3A_229 : i32
          %add3A_231 = vector.broadcast %add3A_230 : i32 to vector<16xi32>
          %add3A_232 = arith.addi %add3A_231, %iota3A : vector<16xi32>
          %sub3A_233 = vector.broadcast %reduce_sum3A_70 : f32 to vector<16xf32>
          %sub3A_234 = arith.subf %get3A_227, %sub3A_233 : vector<16xf32>
          %sub3A_235 = vector.broadcast %reduce_sum3A_81 : f32 to vector<16xf32>
          %sub3A_236 = arith.subf %sub3A_234, %sub3A_235 : vector<16xf32>
          %add3A_237 = vector.broadcast %reduce_sum3A_92 : f32 to vector<16xf32>
          %add3A_238 = arith.addf %sub3A_236, %add3A_237 : vector<16xf32>
          %lt3A_239 = arith.constant 100000 : i32
          %lt3A_240 = vector.broadcast %lt3A_239 : i32 to vector<16xi32>
          %lt3A_241 = arith.cmpi slt, %add3A_232, %lt3A_240 : vector<16xi32>
          %jit3A_242 = arith.constant -3.000000e+38 : f32
          %broadcast_in_dim3A_243 = vector.broadcast %jit3A_242 : f32 to vector<16xf32>
          %select_n3A_244 = arith.select %lt3A_241, %add3A_238, %broadcast_in_dim3A_243 : vector<16xi1>, vector<16xf32>
          %eq3A_245 = vector.broadcast %scan3A_39#0 : f32 to vector<16xf32>
          %eq3A_246 = arith.cmpf oeq, %select_n3A_244, %eq3A_245 : vector<16xf32>
          %jit3A_247 = arith.constant 1073741824 : i32
          %broadcast_in_dim3A_248 = vector.broadcast %jit3A_247 : i32 to vector<16xi32>
          %select_n3A_249 = arith.select %eq3A_246, %add3A_232, %broadcast_in_dim3A_248 : vector<16xi1>, vector<16xi32>
          %min3A_250 = arith.minsi %min3A, %select_n3A_249 : vector<16xi32>
          %jit3A_251 = arith.constant 1 : i32
          %jit3A_252 = arith.constant 0 : i32
          %broadcast_in_dim3A_253 = vector.broadcast %jit3A_251 : i32 to vector<16xi32>
          %broadcast_in_dim3A_254 = vector.broadcast %jit3A_252 : i32 to vector<16xi32>
          %select_n3A_255 = arith.select %eq3A_246, %broadcast_in_dim3A_253, %broadcast_in_dim3A_254 : vector<16xi1>, vector<16xi32>
          %add3A_256 = arith.addi %add3A_215, %select_n3A_255 : vector<16xi32>
          %lt3A_257 = vector.broadcast %scan3A_39#0 : f32 to vector<16xf32>
          %lt3A_258 = arith.cmpf olt, %select_n3A_244, %lt3A_257 : vector<16xf32>
          %jit3A_259 = arith.constant -3.000000e+38 : f32
          %broadcast_in_dim3A_260 = vector.broadcast %jit3A_259 : f32 to vector<16xf32>
          %select_n3A_261 = arith.select %lt3A_258, %select_n3A_244, %broadcast_in_dim3A_260 : vector<16xi1>, vector<16xf32>
          %max3A_262 = arith.maximumf %max3A, %select_n3A_261 : vector<16xf32>
          %scan3A_263 = arith.constant 2 : i32
          %scan3A_264 = arith.addi %scan3A_181, %scan3A_263 : i32
          %mul3A_265 = arith.constant 16 : i32
          %mul3A_266 = arith.muli %scan3A_264, %mul3A_265 : i32
          %get3A_267 = arith.index_cast %and3A_142 : i32 to index
          %get3A_268 = arith.index_cast %mul3A_266 : i32 to index
          %get3A_269 = tpu.vector_load %arg11[%get3A_267, %get3A_268] {strides = array<i32>} : memref<8x1024xf32, #tpu.memory_space<vmem>>, vector<16xf32>,
          %mul3A_270 = arith.constant 16 : i32
          %mul3A_271 = arith.muli %scan3A_264, %mul3A_270 : i32
          %add3A_272 = arith.addi %mul3A_134, %mul3A_271 : i32
          %add3A_273 = vector.broadcast %add3A_272 : i32 to vector<16xi32>
          %add3A_274 = arith.addi %add3A_273, %iota3A : vector<16xi32>
          %sub3A_275 = vector.broadcast %reduce_sum3A_70 : f32 to vector<16xf32>
          %sub3A_276 = arith.subf %get3A_269, %sub3A_275 : vector<16xf32>
          %sub3A_277 = vector.broadcast %reduce_sum3A_81 : f32 to vector<16xf32>
          %sub3A_278 = arith.subf %sub3A_276, %sub3A_277 : vector<16xf32>
          %add3A_279 = vector.broadcast %reduce_sum3A_92 : f32 to vector<16xf32>
          %add3A_280 = arith.addf %sub3A_278, %add3A_279 : vector<16xf32>
          %lt3A_281 = arith.constant 100000 : i32
          %lt3A_282 = vector.broadcast %lt3A_281 : i32 to vector<16xi32>
          %lt3A_283 = arith.cmpi slt, %add3A_274, %lt3A_282 : vector<16xi32>
          %jit3A_284 = arith.constant -3.000000e+38 : f32
          %broadcast_in_dim3A_285 = vector.broadcast %jit3A_284 : f32 to vector<16xf32>
          %select_n3A_286 = arith.select %lt3A_283, %add3A_280, %broadcast_in_dim3A_285 : vector<16xi1>, vector<16xf32>
          %eq3A_287 = vector.broadcast %scan3A_39#0 : f32 to vector<16xf32>
          %eq3A_288 = arith.cmpf oeq, %select_n3A_286, %eq3A_287 : vector<16xf32>
          %jit3A_289 = arith.constant 1073741824 : i32
          %broadcast_in_dim3A_290 = vector.broadcast %jit3A_289 : i32 to vector<16xi32>
          %select_n3A_291 = arith.select %eq3A_288, %add3A_274, %broadcast_in_dim3A_290 : vector<16xi1>, vector<16xi32>
          %min3A_292 = arith.minsi %min3A_250, %select_n3A_291 : vector<16xi32>
          %jit3A_293 = arith.constant 1 : i32
          %jit3A_294 = arith.constant 0 : i32
          %broadcast_in_dim3A_295 = vector.broadcast %jit3A_293 : i32 to vector<16xi32>
          %broadcast_in_dim3A_296 = vector.broadcast %jit3A_294 : i32 to vector<16xi32>
          %select_n3A_297 = arith.select %eq3A_288, %broadcast_in_dim3A_295, %broadcast_in_dim3A_296 : vector<16xi1>, vector<16xi32>
          %add3A_298 = arith.addi %add3A_256, %select_n3A_297 : vector<16xi32>
          %lt3A_299 = vector.broadcast %scan3A_39#0 : f32 to vector<16xf32>
          %lt3A_300 = arith.cmpf olt, %select_n3A_286, %lt3A_299 : vector<16xf32>
          %jit3A_301 = arith.constant -3.000000e+38 : f32
          %broadcast_in_dim3A_302 = vector.broadcast %jit3A_301 : f32 to vector<16xf32>
          %select_n3A_303 = arith.select %lt3A_300, %select_n3A_286, %broadcast_in_dim3A_302 : vector<16xi1>, vector<16xf32>
          %max3A_304 = arith.maximumf %max3A_262, %select_n3A_303 : vector<16xf32>
          %scan3A_305 = arith.constant 3 : i32
          %scan3A_306 = arith.addi %scan3A_181, %scan3A_305 : i32
          %mul3A_307 = arith.constant 16 : i32
          %mul3A_308 = arith.muli %scan3A_306, %mul3A_307 : i32
          %get3A_309 = arith.index_cast %and3A_142 : i32 to index
          %get3A_310 = arith.index_cast %mul3A_308 : i32 to index
          %get3A_311 = tpu.vector_load %arg11[%get3A_309, %get3A_310] {strides = array<i32>} : memref<8x1024xf32, #tpu.memory_space<vmem>>, vector<16xf32>,
          %mul3A_312 = arith.constant 16 : i32
          %mul3A_313 = arith.muli %scan3A_306, %mul3A_312 : i32
          %add3A_314 = arith.addi %mul3A_134, %mul3A_313 : i32
          %add3A_315 = vector.broadcast %add3A_314 : i32 to vector<16xi32>
          %add3A_316 = arith.addi %add3A_315, %iota3A : vector<16xi32>
          %sub3A_317 = vector.broadcast %reduce_sum3A_70 : f32 to vector<16xf32>
          %sub3A_318 = arith.subf %get3A_311, %sub3A_317 : vector<16xf32>
          %sub3A_319 = vector.broadcast %reduce_sum3A_81 : f32 to vector<16xf32>
          %sub3A_320 = arith.subf %sub3A_318, %sub3A_319 : vector<16xf32>
          %add3A_321 = vector.broadcast %reduce_sum3A_92 : f32 to vector<16xf32>
          %add3A_322 = arith.addf %sub3A_320, %add3A_321 : vector<16xf32>
          %lt3A_323 = arith.constant 100000 : i32
          %lt3A_324 = vector.broadcast %lt3A_323 : i32 to vector<16xi32>
          %lt3A_325 = arith.cmpi slt, %add3A_316, %lt3A_324 : vector<16xi32>
          %jit3A_326 = arith.constant -3.000000e+38 : f32
          %broadcast_in_dim3A_327 = vector.broadcast %jit3A_326 : f32 to vector<16xf32>
          %select_n3A_328 = arith.select %lt3A_325, %add3A_322, %broadcast_in_dim3A_327 : vector<16xi1>, vector<16xf32>
          %eq3A_329 = vector.broadcast %scan3A_39#0 : f32 to vector<16xf32>
          %eq3A_330 = arith.cmpf oeq, %select_n3A_328, %eq3A_329 : vector<16xf32>
          %jit3A_331 = arith.constant 1073741824 : i32
          %broadcast_in_dim3A_332 = vector.broadcast %jit3A_331 : i32 to vector<16xi32>
          %select_n3A_333 = arith.select %eq3A_330, %add3A_316, %broadcast_in_dim3A_332 : vector<16xi1>, vector<16xi32>
          %min3A_334 = arith.minsi %min3A_292, %select_n3A_333 : vector<16xi32>
          %jit3A_335 = arith.constant 1 : i32
          %jit3A_336 = arith.constant 0 : i32
          %broadcast_in_dim3A_337 = vector.broadcast %jit3A_335 : i32 to vector<16xi32>
          %broadcast_in_dim3A_338 = vector.broadcast %jit3A_336 : i32 to vector<16xi32>
          %select_n3A_339 = arith.select %eq3A_330, %broadcast_in_dim3A_337, %broadcast_in_dim3A_338 : vector<16xi1>, vector<16xi32>
          %add3A_340 = arith.addi %add3A_298, %select_n3A_339 : vector<16xi32>
          %lt3A_341 = vector.broadcast %scan3A_39#0 : f32 to vector<16xf32>
          %lt3A_342 = arith.cmpf olt, %select_n3A_328, %lt3A_341 : vector<16xf32>
          %jit3A_343 = arith.constant -3.000000e+38 : f32
          %broadcast_in_dim3A_344 = vector.broadcast %jit3A_343 : f32 to vector<16xf32>
          %select_n3A_345 = arith.select %lt3A_342, %select_n3A_328, %broadcast_in_dim3A_344 : vector<16xi1>, vector<16xf32>
          %max3A_346 = arith.maximumf %max3A_304, %select_n3A_345 : vector<16xf32>
          scf.yield %min3A_334, %max3A_346, %add3A_340 : vector<16xi32>, vector<16xf32>, vector<16xi32>
        }
        %scan3A_161 = arith.constant 64 : i32
        %reduce_min3A_162 = arith.constant true
        %reduce_min3A_163 = vector.broadcast %reduce_min3A_162 : i1 to vector<16xi1>
        %reduce_min3A_164 = arith.constant -2147483648 : i32
        %reduce_min3A_165 = vector.broadcast %reduce_min3A_164 : i32 to vector<16xi32>
        %reduce_min3A_166 = arith.xori %scan3A_160#0, %reduce_min3A_165 : vector<16xi32>
        %reduce_min3A_167 = tpu.scan <min>, %reduce_min3A_166 masked %reduce_min3A_163 : vector<16xi32>, vector<16xi1> -> vector<16xi32>
        %reduce_min3A_168 = arith.xori %reduce_min3A_167, %reduce_min3A_165 : vector<16xi32>
        %reduce_min3A_169 = vector.extract %reduce_min3A_168[15] : i32 from vector<16xi32>
        %reduce_sum3A_170 = arith.constant true
        %reduce_sum3A_171 = vector.broadcast %reduce_sum3A_170 : i1 to vector<16xi1>
        %reduce_sum3A_172 = tpu.scan <sum>, %scan3A_160#2 masked %reduce_sum3A_171 : vector<16xi32>, vector<16xi1> -> vector<16xi32>
        %reduce_sum3A_173 = vector.extract %reduce_sum3A_172[15] : i32 from vector<16xi32>
        %gt3A_174 = arith.constant 1 : i32
        %gt3A_175 = arith.cmpi sgt, %reduce_sum3A_173, %gt3A_174 : i32
        %reduce_max3A_176 = arith.constant true
        %reduce_max3A_177 = vector.broadcast %reduce_max3A_176 : i1 to vector<16xi1>
        %reduce_max3A_178 = tpu.scan <max>, %scan3A_160#1 masked %reduce_max3A_177 : vector<16xf32>, vector<16xi1> -> vector<16xf32>
        %reduce_max3A_179 = vector.extract %reduce_max3A_178[15] : f32 from vector<16xf32>
        %select_n3A_180 = arith.select %gt3A_175, %scan3A_39#0, %reduce_max3A_179 : f32
        scf.yield %reduce_min3A_169, %select_n3A_180 : i32, f32
      }
      %mul3A_108 = arith.constant 16 : i32
      %mul3A_109 = arith.muli %and3A_42, %mul3A_108 : i32
      %eq3A_110 = vector.broadcast %reduce_min3A_55 : i32 to vector<16xi32>
      %eq3A_111 = arith.cmpi eq, %iota3A, %eq3A_110 : vector<16xi32>
      %get3A_112 = arith.index_cast %shift_right_arithmetic3A_41 : i32 to index
      %get3A_113 = arith.index_cast %mul3A_109 : i32 to index
      %get3A_114 = tpu.vector_load %arg8[%get3A_112, %get3A_113] {strides = array<i32>} : memref<16x128xf32, #tpu.memory_space<vmem>>, vector<16xf32>,
      %broadcast_in_dim3A_115 = vector.broadcast %cond3A_107#1 : f32 to vector<16xf32>
      %select_n3A_116 = arith.select %eq3A_111, %broadcast_in_dim3A_115, %get3A_114 : vector<16xi1>, vector<16xf32>
      %swap3A_117 = arith.index_cast %shift_right_arithmetic3A_41 : i32 to index
      %swap3A_118 = arith.index_cast %mul3A_109 : i32 to index
      %swap3A_119 = tpu.vector_load %arg8[%swap3A_117, %swap3A_118] {strides = array<i32>} : memref<16x128xf32, #tpu.memory_space<vmem>>, vector<16xf32>,
      tpu.vector_store %arg8[%swap3A_117, %swap3A_118], %select_n3A_116 {strides = array<i32>} : memref<16x128xf32, #tpu.memory_space<vmem>>, vector<16xf32>,
      %reduce_max3A = arith.constant true
      %reduce_max3A_120 = vector.broadcast %reduce_max3A : i1 to vector<16xi1>
      %reduce_max3A_121 = tpu.scan <max>, %select_n3A_116 masked %reduce_max3A_120 : vector<16xf32>, vector<16xi1> -> vector<16xf32>
      %reduce_max3A_122 = vector.extract %reduce_max3A_121[15] : f32 from vector<16xf32>
      %swap3A_123 = arith.index_cast %scan3A_39#1 : i32 to index
      %swap3A_124 = memref.load %arg10[%swap3A_123] : memref<128xf32, #tpu.memory_space<smem>>
      memref.store %reduce_max3A_122, %arg10[%swap3A_123] : memref<128xf32, #tpu.memory_space<smem>>
      %eq3A_125 = vector.broadcast %scan3A_29 : i32 to vector<16xi32>
      %eq3A_126 = arith.cmpi eq, %iota3A, %eq3A_125 : vector<16xi32>
      %broadcast_in_dim3A_127 = vector.broadcast %scan3A_39#0 : f32 to vector<16xf32>
      %select_n3A_128 = arith.select %eq3A_126, %broadcast_in_dim3A_127, %scan3A_30 : vector<16xi1>, vector<16xf32>
      %broadcast_in_dim3A_129 = vector.broadcast %shift_right_arithmetic3A_41 : i32 to vector<16xi32>
      %select_n3A_130 = arith.select %eq3A_126, %broadcast_in_dim3A_129, %scan3A_31 : vector<16xi1>, vector<16xi32>
      %broadcast_in_dim3A_131 = vector.broadcast %cond3A_107#0 : i32 to vector<16xi32>
      %select_n3A_132 = arith.select %eq3A_126, %broadcast_in_dim3A_131, %scan3A_32 : vector<16xi1>, vector<16xi32>
      scf.yield %select_n3A_128, %select_n3A_130, %select_n3A_132 : vector<16xf32>, vector<16xi32>, vector<16xi32>
    }
    %scan3A_17 = arith.constant 16 : i32
    %swap3A = arith.constant 0 : i32
    %swap3A_18 = arith.index_cast %swap3A : i32 to index
    %swap3A_19 = arith.constant 0 : index
    %swap3A_20 = tpu.vector_load %arg12[%swap3A_18, %swap3A_19] {strides = array<i32>} : memref<8x128xf32, #tpu.memory_space<vmem>>, vector<16xf32>,
    tpu.vector_store %arg12[%swap3A_18, %swap3A_19], %scan3A_16#0 {strides = array<i32>} : memref<8x128xf32, #tpu.memory_space<vmem>>, vector<16xf32>,
    %swap3A_21 = arith.constant 0 : i32
    %swap3A_22 = arith.index_cast %swap3A_21 : i32 to index
    %swap3A_23 = arith.constant 0 : index
    %swap3A_24 = tpu.vector_load %arg13[%swap3A_22, %swap3A_23] {strides = array<i32>} : memref<8x128xi32, #tpu.memory_space<vmem>>, vector<16xi32>,
    tpu.vector_store %arg13[%swap3A_22, %swap3A_23], %scan3A_16#1 {strides = array<i32>} : memref<8x128xi32, #tpu.memory_space<vmem>>, vector<16xi32>,
    %swap3A_25 = arith.constant 0 : i32
    %swap3A_26 = arith.index_cast %swap3A_25 : i32 to index
    %swap3A_27 = arith.constant 0 : index
    %swap3A_28 = tpu.vector_load %arg14[%swap3A_26, %swap3A_27] {strides = array<i32>} : memref<8x128xi32, #tpu.memory_space<vmem>>, vector<16xi32>,
    tpu.vector_store %arg14[%swap3A_26, %swap3A_27], %scan3A_16#2 {strides = array<i32>} : memref<8x128xi32, #tpu.memory_space<vmem>>, vector<16xi32>,
    "tpu.region"() ({
      %run_scoped3A = tpu.sem_alloc : memref<!tpu.dma_semaphore, #tpu.memory_space<semaphore_mem>>
      %dma_start3A = arith.constant 0 : i32
      %dma_start3A_29 = arith.constant 0 : i32
      %dma_start3A_30 = tpu.memref_slice %arg5[%add3A, %dma_start3A, %dma_start3A_29] : memref<32x8x128xf32, #tpu.memory_space<hbm>> -> memref<1x8x128xf32, #tpu.memory_space<hbm>>
      %dma_start3A_31 = tpu.memref_squeeze %dma_start3A_30 : memref<1x8x128xf32, #tpu.memory_space<hbm>> -> memref<8x128xf32, #tpu.memory_space<hbm>>
      %dma_start3A_32 = arith.constant 0 : i32
      %dma_start3A_33 = arith.constant 0 : i32
      %dma_start3A_34 = tpu.memref_slice %arg5[%add3A, %dma_start3A_32, %dma_start3A_33] : memref<32x8x128xf32, #tpu.memory_space<hbm>> -> memref<1x8x128xf32, #tpu.memory_space<hbm>>
      %dma_start3A_35 = tpu.memref_squeeze %dma_start3A_34 : memref<1x8x128xf32, #tpu.memory_space<hbm>> -> memref<8x128xf32, #tpu.memory_space<hbm>>
      tpu.enqueue_dma source(%arg12 : memref<8x128xf32, #tpu.memory_space<vmem>>) target(%dma_start3A_35 : memref<8x128xf32, #tpu.memory_space<hbm>>) target_semaphore(%run_scoped3A : memref<!tpu.dma_semaphore, #tpu.memory_space<semaphore_mem>>)
      %dma_wait3A = arith.constant 0 : i32
      %dma_wait3A_36 = arith.constant 0 : i32
      %dma_wait3A_37 = tpu.memref_slice %arg5[%add3A, %dma_wait3A, %dma_wait3A_36] : memref<32x8x128xf32, #tpu.memory_space<hbm>> -> memref<1x8x128xf32, #tpu.memory_space<hbm>>
      %dma_wait3A_38 = tpu.memref_squeeze %dma_wait3A_37 : memref<1x8x128xf32, #tpu.memory_space<hbm>> -> memref<8x128xf32, #tpu.memory_space<hbm>>
      %dma_wait3A_39 = arith.constant 0 : i32
      %dma_wait3A_40 = arith.constant 0 : i32
      %dma_wait3A_41 = tpu.memref_slice %arg5[%add3A, %dma_wait3A_39, %dma_wait3A_40] : memref<32x8x128xf32, #tpu.memory_space<hbm>> -> memref<1x8x128xf32, #tpu.memory_space<hbm>>
      %dma_wait3A_42 = tpu.memref_squeeze %dma_wait3A_41 : memref<1x8x128xf32, #tpu.memory_space<hbm>> -> memref<8x128xf32, #tpu.memory_space<hbm>>
      tpu.wait_dma2 semaphore(%run_scoped3A : memref<!tpu.dma_semaphore, #tpu.memory_space<semaphore_mem>>) src(%arg12 : memref<8x128xf32, #tpu.memory_space<vmem>>) dst(%dma_wait3A_42 : memref<8x128xf32, #tpu.memory_space<hbm>>)
      tpu.yield
    }) : () -> ()
    "tpu.region"() ({
      %run_scoped3A = tpu.sem_alloc : memref<!tpu.dma_semaphore, #tpu.memory_space<semaphore_mem>>
      %dma_start3A = arith.constant 0 : i32
      %dma_start3A_29 = arith.constant 0 : i32
      %dma_start3A_30 = tpu.memref_slice %arg6[%add3A, %dma_start3A, %dma_start3A_29] : memref<32x8x128xi32, #tpu.memory_space<hbm>> -> memref<1x8x128xi32, #tpu.memory_space<hbm>>
      %dma_start3A_31 = tpu.memref_squeeze %dma_start3A_30 : memref<1x8x128xi32, #tpu.memory_space<hbm>> -> memref<8x128xi32, #tpu.memory_space<hbm>>
      %dma_start3A_32 = arith.constant 0 : i32
      %dma_start3A_33 = arith.constant 0 : i32
      %dma_start3A_34 = tpu.memref_slice %arg6[%add3A, %dma_start3A_32, %dma_start3A_33] : memref<32x8x128xi32, #tpu.memory_space<hbm>> -> memref<1x8x128xi32, #tpu.memory_space<hbm>>
      %dma_start3A_35 = tpu.memref_squeeze %dma_start3A_34 : memref<1x8x128xi32, #tpu.memory_space<hbm>> -> memref<8x128xi32, #tpu.memory_space<hbm>>
      tpu.enqueue_dma source(%arg13 : memref<8x128xi32, #tpu.memory_space<vmem>>) target(%dma_start3A_35 : memref<8x128xi32, #tpu.memory_space<hbm>>) target_semaphore(%run_scoped3A : memref<!tpu.dma_semaphore, #tpu.memory_space<semaphore_mem>>)
      %dma_wait3A = arith.constant 0 : i32
      %dma_wait3A_36 = arith.constant 0 : i32
      %dma_wait3A_37 = tpu.memref_slice %arg6[%add3A, %dma_wait3A, %dma_wait3A_36] : memref<32x8x128xi32, #tpu.memory_space<hbm>> -> memref<1x8x128xi32, #tpu.memory_space<hbm>>
      %dma_wait3A_38 = tpu.memref_squeeze %dma_wait3A_37 : memref<1x8x128xi32, #tpu.memory_space<hbm>> -> memref<8x128xi32, #tpu.memory_space<hbm>>
      %dma_wait3A_39 = arith.constant 0 : i32
      %dma_wait3A_40 = arith.constant 0 : i32
      %dma_wait3A_41 = tpu.memref_slice %arg6[%add3A, %dma_wait3A_39, %dma_wait3A_40] : memref<32x8x128xi32, #tpu.memory_space<hbm>> -> memref<1x8x128xi32, #tpu.memory_space<hbm>>
      %dma_wait3A_42 = tpu.memref_squeeze %dma_wait3A_41 : memref<1x8x128xi32, #tpu.memory_space<hbm>> -> memref<8x128xi32, #tpu.memory_space<hbm>>
      tpu.wait_dma2 semaphore(%run_scoped3A : memref<!tpu.dma_semaphore, #tpu.memory_space<semaphore_mem>>) src(%arg13 : memref<8x128xi32, #tpu.memory_space<vmem>>) dst(%dma_wait3A_42 : memref<8x128xi32, #tpu.memory_space<hbm>>)
      tpu.yield
    }) : () -> ()
    "tpu.region"() ({
      %run_scoped3A = tpu.sem_alloc : memref<!tpu.dma_semaphore, #tpu.memory_space<semaphore_mem>>
      %dma_start3A = arith.constant 0 : i32
      %dma_start3A_29 = arith.constant 0 : i32
      %dma_start3A_30 = tpu.memref_slice %arg7[%add3A, %dma_start3A, %dma_start3A_29] : memref<32x8x128xi32, #tpu.memory_space<hbm>> -> memref<1x8x128xi32, #tpu.memory_space<hbm>>
      %dma_start3A_31 = tpu.memref_squeeze %dma_start3A_30 : memref<1x8x128xi32, #tpu.memory_space<hbm>> -> memref<8x128xi32, #tpu.memory_space<hbm>>
      %dma_start3A_32 = arith.constant 0 : i32
      %dma_start3A_33 = arith.constant 0 : i32
      %dma_start3A_34 = tpu.memref_slice %arg7[%add3A, %dma_start3A_32, %dma_start3A_33] : memref<32x8x128xi32, #tpu.memory_space<hbm>> -> memref<1x8x128xi32, #tpu.memory_space<hbm>>
      %dma_start3A_35 = tpu.memref_squeeze %dma_start3A_34 : memref<1x8x128xi32, #tpu.memory_space<hbm>> -> memref<8x128xi32, #tpu.memory_space<hbm>>
      tpu.enqueue_dma source(%arg14 : memref<8x128xi32, #tpu.memory_space<vmem>>) target(%dma_start3A_35 : memref<8x128xi32, #tpu.memory_space<hbm>>) target_semaphore(%run_scoped3A : memref<!tpu.dma_semaphore, #tpu.memory_space<semaphore_mem>>)
      %dma_wait3A = arith.constant 0 : i32
      %dma_wait3A_36 = arith.constant 0 : i32
      %dma_wait3A_37 = tpu.memref_slice %arg7[%add3A, %dma_wait3A, %dma_wait3A_36] : memref<32x8x128xi32, #tpu.memory_space<hbm>> -> memref<1x8x128xi32, #tpu.memory_space<hbm>>
      %dma_wait3A_38 = tpu.memref_squeeze %dma_wait3A_37 : memref<1x8x128xi32, #tpu.memory_space<hbm>> -> memref<8x128xi32, #tpu.memory_space<hbm>>
      %dma_wait3A_39 = arith.constant 0 : i32
      %dma_wait3A_40 = arith.constant 0 : i32
      %dma_wait3A_41 = tpu.memref_slice %arg7[%add3A, %dma_wait3A_39, %dma_wait3A_40] : memref<32x8x128xi32, #tpu.memory_space<hbm>> -> memref<1x8x128xi32, #tpu.memory_space<hbm>>
      %dma_wait3A_42 = tpu.memref_squeeze %dma_wait3A_41 : memref<1x8x128xi32, #tpu.memory_space<hbm>> -> memref<8x128xi32, #tpu.memory_space<hbm>>
      tpu.wait_dma2 semaphore(%run_scoped3A : memref<!tpu.dma_semaphore, #tpu.memory_space<semaphore_mem>>) src(%arg14 : memref<8x128xi32, #tpu.memory_space<vmem>>) dst(%dma_wait3A_42 : memref<8x128xi32, #tpu.memory_space<hbm>>)
      tpu.yield
    }) : () -> ()
    return
  }
}

module attributes {stable_mosaic.version = 14 : i64} {
  func.func @_tc_body(%arg0: i32, %arg1: memref<16x26624xf32, #tpu.memory_space<vmem>>, %arg2: memref<16x26624xf32, #tpu.memory_space<vmem>>, %arg3: memref<16x26624xf32, #tpu.memory_space<vmem>>, %arg4: memref<16x26624xf32, #tpu.memory_space<vmem>>, %arg5: memref<1x16x1xf32, #tpu.memory_space<vmem>>, %arg6: memref<1x16x1xi32, #tpu.memory_space<vmem>>, %arg7: memref<1x16x128xf32, #tpu.memory_space<vmem>>, %arg8: memref<1x8x128xf32, #tpu.memory_space<vmem>>) attributes {dimension_semantics = [#tpu.dimension_semantics<arbitrary>], iteration_bounds = array<i64: 32>, scalar_prefetch = 0 : i64, scratch_operands = 0 : i64, tpu.core_type = #tpu.core_type<tc>, window_params = [{transform_indices = @transform_0, window_bounds = array<i64: 16, 26624>}, {transform_indices = @transform_1, window_bounds = array<i64: 16, 26624>}, {transform_indices = @transform_2, window_bounds = array<i64: 16, 26624>}, {transform_indices = @transform_3, window_bounds = array<i64: 16, 26624>}, {transform_indices = @transform_4, window_bounds = array<i64: 1, 16, 1>}, {transform_indices = @transform_5, window_bounds = array<i64: 1, 16, 1>}, {transform_indices = @transform_6, window_bounds = array<i64: 1, 16, 128>}, {transform_indices = @transform_7, window_bounds = array<i64: 1, 8, 128>}]} {
    %get3A = arith.constant 0 : index
    %get3A_0 = arith.constant 0 : index
    %get3A_1 = arith.constant 0 : index
    %get3A_2 = vector.load %arg5[%get3A, %get3A_0, %get3A_1] : memref<1x16x1xf32, #tpu.memory_space<vmem>>, vector<1x16x1xf32>
    %get3A_3 = vector.shape_cast %get3A_2 : vector<1x16x1xf32> to vector<16x1xf32>
    %get3A_4 = arith.constant 0 : index
    %get3A_5 = arith.constant 0 : index
    %get3A_6 = arith.constant 0 : index
    %get3A_7 = vector.load %arg6[%get3A_4, %get3A_5, %get3A_6] : memref<1x16x1xi32, #tpu.memory_space<vmem>>, vector<1x16x1xi32>
    %get3A_8 = vector.shape_cast %get3A_7 : vector<1x16x1xi32> to vector<16x1xi32>
    %eq3A = arith.constant 2 : i32
    %eq3A_9 = vector.broadcast %eq3A : i32 to vector<16x1xi32>
    %eq3A_10 = arith.cmpi eq, %get3A_8, %eq3A_9 : vector<16x1xi32>
    %get3A_11 = arith.constant 0 : index
    %get3A_12 = arith.constant 0 : index
    %get3A_13 = vector.load %arg1[%get3A_11, %get3A_12] : memref<16x26624xf32, #tpu.memory_space<vmem>>, vector<16x1024xf32>
    %reduce_max3A = arith.constant dense<0xFF800000> : vector<16xf32>
    %reduce_max3A_14 = vector.multi_reduction <maximumf>, %get3A_13, %reduce_max3A [1] : vector<16x1024xf32> to vector<16xf32>
    %get3A_15 = arith.constant 0 : index
    %get3A_16 = arith.constant 1024 : index
    %get3A_17 = vector.load %arg1[%get3A_15, %get3A_16] : memref<16x26624xf32, #tpu.memory_space<vmem>>, vector<16x1024xf32>
    %reduce_max3A_18 = arith.constant dense<0xFF800000> : vector<16xf32>
    %reduce_max3A_19 = vector.multi_reduction <maximumf>, %get3A_17, %reduce_max3A_18 [1] : vector<16x1024xf32> to vector<16xf32>
    %get3A_20 = arith.constant 0 : index
    %get3A_21 = arith.constant 2048 : index
    %get3A_22 = vector.load %arg1[%get3A_20, %get3A_21] : memref<16x26624xf32, #tpu.memory_space<vmem>>, vector<16x1024xf32>
    %reduce_max3A_23 = arith.constant dense<0xFF800000> : vector<16xf32>
    %reduce_max3A_24 = vector.multi_reduction <maximumf>, %get3A_22, %reduce_max3A_23 [1] : vector<16x1024xf32> to vector<16xf32>
    %get3A_25 = arith.constant 0 : index
    %get3A_26 = arith.constant 3072 : index
    %get3A_27 = vector.load %arg1[%get3A_25, %get3A_26] : memref<16x26624xf32, #tpu.memory_space<vmem>>, vector<16x1024xf32>
    %reduce_max3A_28 = arith.constant dense<0xFF800000> : vector<16xf32>
    %reduce_max3A_29 = vector.multi_reduction <maximumf>, %get3A_27, %reduce_max3A_28 [1] : vector<16x1024xf32> to vector<16xf32>
    %get3A_30 = arith.constant 0 : index
    %get3A_31 = arith.constant 4096 : index
    %get3A_32 = vector.load %arg1[%get3A_30, %get3A_31] : memref<16x26624xf32, #tpu.memory_space<vmem>>, vector<16x1024xf32>
    %reduce_max3A_33 = arith.constant dense<0xFF800000> : vector<16xf32>
    %reduce_max3A_34 = vector.multi_reduction <maximumf>, %get3A_32, %reduce_max3A_33 [1] : vector<16x1024xf32> to vector<16xf32>
    %get3A_35 = arith.constant 0 : index
    %get3A_36 = arith.constant 5120 : index
    %get3A_37 = vector.load %arg1[%get3A_35, %get3A_36] : memref<16x26624xf32, #tpu.memory_space<vmem>>, vector<16x1024xf32>
    %reduce_max3A_38 = arith.constant dense<0xFF800000> : vector<16xf32>
    %reduce_max3A_39 = vector.multi_reduction <maximumf>, %get3A_37, %reduce_max3A_38 [1] : vector<16x1024xf32> to vector<16xf32>
    %get3A_40 = arith.constant 0 : index
    %get3A_41 = arith.constant 6144 : index
    %get3A_42 = vector.load %arg1[%get3A_40, %get3A_41] : memref<16x26624xf32, #tpu.memory_space<vmem>>, vector<16x1024xf32>
    %reduce_max3A_43 = arith.constant dense<0xFF800000> : vector<16xf32>
    %reduce_max3A_44 = vector.multi_reduction <maximumf>, %get3A_42, %reduce_max3A_43 [1] : vector<16x1024xf32> to vector<16xf32>
    %get3A_45 = arith.constant 0 : index
    %get3A_46 = arith.constant 7168 : index
    %get3A_47 = vector.load %arg1[%get3A_45, %get3A_46] : memref<16x26624xf32, #tpu.memory_space<vmem>>, vector<16x1024xf32>
    %reduce_max3A_48 = arith.constant dense<0xFF800000> : vector<16xf32>
    %reduce_max3A_49 = vector.multi_reduction <maximumf>, %get3A_47, %reduce_max3A_48 [1] : vector<16x1024xf32> to vector<16xf32>
    %get3A_50 = arith.constant 0 : index
    %get3A_51 = arith.constant 8192 : index
    %get3A_52 = vector.load %arg1[%get3A_50, %get3A_51] : memref<16x26624xf32, #tpu.memory_space<vmem>>, vector<16x1024xf32>
    %reduce_max3A_53 = arith.constant dense<0xFF800000> : vector<16xf32>
    %reduce_max3A_54 = vector.multi_reduction <maximumf>, %get3A_52, %reduce_max3A_53 [1] : vector<16x1024xf32> to vector<16xf32>
    %get3A_55 = arith.constant 0 : index
    %get3A_56 = arith.constant 9216 : index
    %get3A_57 = vector.load %arg1[%get3A_55, %get3A_56] : memref<16x26624xf32, #tpu.memory_space<vmem>>, vector<16x1024xf32>
    %reduce_max3A_58 = arith.constant dense<0xFF800000> : vector<16xf32>
    %reduce_max3A_59 = vector.multi_reduction <maximumf>, %get3A_57, %reduce_max3A_58 [1] : vector<16x1024xf32> to vector<16xf32>
    %get3A_60 = arith.constant 0 : index
    %get3A_61 = arith.constant 10240 : index
    %get3A_62 = vector.load %arg1[%get3A_60, %get3A_61] : memref<16x26624xf32, #tpu.memory_space<vmem>>, vector<16x1024xf32>
    %reduce_max3A_63 = arith.constant dense<0xFF800000> : vector<16xf32>
    %reduce_max3A_64 = vector.multi_reduction <maximumf>, %get3A_62, %reduce_max3A_63 [1] : vector<16x1024xf32> to vector<16xf32>
    %get3A_65 = arith.constant 0 : index
    %get3A_66 = arith.constant 11264 : index
    %get3A_67 = vector.load %arg1[%get3A_65, %get3A_66] : memref<16x26624xf32, #tpu.memory_space<vmem>>, vector<16x1024xf32>
    %reduce_max3A_68 = arith.constant dense<0xFF800000> : vector<16xf32>
    %reduce_max3A_69 = vector.multi_reduction <maximumf>, %get3A_67, %reduce_max3A_68 [1] : vector<16x1024xf32> to vector<16xf32>
    %get3A_70 = arith.constant 0 : index
    %get3A_71 = arith.constant 12288 : index
    %get3A_72 = vector.load %arg1[%get3A_70, %get3A_71] : memref<16x26624xf32, #tpu.memory_space<vmem>>, vector<16x1024xf32>
    %reduce_max3A_73 = arith.constant dense<0xFF800000> : vector<16xf32>
    %reduce_max3A_74 = vector.multi_reduction <maximumf>, %get3A_72, %reduce_max3A_73 [1] : vector<16x1024xf32> to vector<16xf32>
    %get3A_75 = arith.constant 0 : index
    %get3A_76 = arith.constant 13312 : index
    %get3A_77 = vector.load %arg1[%get3A_75, %get3A_76] : memref<16x26624xf32, #tpu.memory_space<vmem>>, vector<16x1024xf32>
    %reduce_max3A_78 = arith.constant dense<0xFF800000> : vector<16xf32>
    %reduce_max3A_79 = vector.multi_reduction <maximumf>, %get3A_77, %reduce_max3A_78 [1] : vector<16x1024xf32> to vector<16xf32>
    %get3A_80 = arith.constant 0 : index
    %get3A_81 = arith.constant 14336 : index
    %get3A_82 = vector.load %arg1[%get3A_80, %get3A_81] : memref<16x26624xf32, #tpu.memory_space<vmem>>, vector<16x1024xf32>
    %reduce_max3A_83 = arith.constant dense<0xFF800000> : vector<16xf32>
    %reduce_max3A_84 = vector.multi_reduction <maximumf>, %get3A_82, %reduce_max3A_83 [1] : vector<16x1024xf32> to vector<16xf32>
    %get3A_85 = arith.constant 0 : index
    %get3A_86 = arith.constant 15360 : index
    %get3A_87 = vector.load %arg1[%get3A_85, %get3A_86] : memref<16x26624xf32, #tpu.memory_space<vmem>>, vector<16x1024xf32>
    %reduce_max3A_88 = arith.constant dense<0xFF800000> : vector<16xf32>
    %reduce_max3A_89 = vector.multi_reduction <maximumf>, %get3A_87, %reduce_max3A_88 [1] : vector<16x1024xf32> to vector<16xf32>
    %get3A_90 = arith.constant 0 : index
    %get3A_91 = arith.constant 16384 : index
    %get3A_92 = vector.load %arg1[%get3A_90, %get3A_91] : memref<16x26624xf32, #tpu.memory_space<vmem>>, vector<16x1024xf32>
    %reduce_max3A_93 = arith.constant dense<0xFF800000> : vector<16xf32>
    %reduce_max3A_94 = vector.multi_reduction <maximumf>, %get3A_92, %reduce_max3A_93 [1] : vector<16x1024xf32> to vector<16xf32>
    %get3A_95 = arith.constant 0 : index
    %get3A_96 = arith.constant 17408 : index
    %get3A_97 = vector.load %arg1[%get3A_95, %get3A_96] : memref<16x26624xf32, #tpu.memory_space<vmem>>, vector<16x1024xf32>
    %reduce_max3A_98 = arith.constant dense<0xFF800000> : vector<16xf32>
    %reduce_max3A_99 = vector.multi_reduction <maximumf>, %get3A_97, %reduce_max3A_98 [1] : vector<16x1024xf32> to vector<16xf32>
    %get3A_100 = arith.constant 0 : index
    %get3A_101 = arith.constant 18432 : index
    %get3A_102 = vector.load %arg1[%get3A_100, %get3A_101] : memref<16x26624xf32, #tpu.memory_space<vmem>>, vector<16x1024xf32>
    %reduce_max3A_103 = arith.constant dense<0xFF800000> : vector<16xf32>
    %reduce_max3A_104 = vector.multi_reduction <maximumf>, %get3A_102, %reduce_max3A_103 [1] : vector<16x1024xf32> to vector<16xf32>
    %get3A_105 = arith.constant 0 : index
    %get3A_106 = arith.constant 19456 : index
    %get3A_107 = vector.load %arg1[%get3A_105, %get3A_106] : memref<16x26624xf32, #tpu.memory_space<vmem>>, vector<16x1024xf32>
    %reduce_max3A_108 = arith.constant dense<0xFF800000> : vector<16xf32>
    %reduce_max3A_109 = vector.multi_reduction <maximumf>, %get3A_107, %reduce_max3A_108 [1] : vector<16x1024xf32> to vector<16xf32>
    %get3A_110 = arith.constant 0 : index
    %get3A_111 = arith.constant 20480 : index
    %get3A_112 = vector.load %arg1[%get3A_110, %get3A_111] : memref<16x26624xf32, #tpu.memory_space<vmem>>, vector<16x1024xf32>
    %reduce_max3A_113 = arith.constant dense<0xFF800000> : vector<16xf32>
    %reduce_max3A_114 = vector.multi_reduction <maximumf>, %get3A_112, %reduce_max3A_113 [1] : vector<16x1024xf32> to vector<16xf32>
    %get3A_115 = arith.constant 0 : index
    %get3A_116 = arith.constant 21504 : index
    %get3A_117 = vector.load %arg1[%get3A_115, %get3A_116] : memref<16x26624xf32, #tpu.memory_space<vmem>>, vector<16x1024xf32>
    %reduce_max3A_118 = arith.constant dense<0xFF800000> : vector<16xf32>
    %reduce_max3A_119 = vector.multi_reduction <maximumf>, %get3A_117, %reduce_max3A_118 [1] : vector<16x1024xf32> to vector<16xf32>
    %get3A_120 = arith.constant 0 : index
    %get3A_121 = arith.constant 22528 : index
    %get3A_122 = vector.load %arg1[%get3A_120, %get3A_121] : memref<16x26624xf32, #tpu.memory_space<vmem>>, vector<16x1024xf32>
    %reduce_max3A_123 = arith.constant dense<0xFF800000> : vector<16xf32>
    %reduce_max3A_124 = vector.multi_reduction <maximumf>, %get3A_122, %reduce_max3A_123 [1] : vector<16x1024xf32> to vector<16xf32>
    %get3A_125 = arith.constant 0 : index
    %get3A_126 = arith.constant 23552 : index
    %get3A_127 = vector.load %arg1[%get3A_125, %get3A_126] : memref<16x26624xf32, #tpu.memory_space<vmem>>, vector<16x1024xf32>
    %reduce_max3A_128 = arith.constant dense<0xFF800000> : vector<16xf32>
    %reduce_max3A_129 = vector.multi_reduction <maximumf>, %get3A_127, %reduce_max3A_128 [1] : vector<16x1024xf32> to vector<16xf32>
    %get3A_130 = arith.constant 0 : index
    %get3A_131 = arith.constant 24576 : index
    %get3A_132 = vector.load %arg1[%get3A_130, %get3A_131] : memref<16x26624xf32, #tpu.memory_space<vmem>>, vector<16x1024xf32>
    %reduce_max3A_133 = arith.constant dense<0xFF800000> : vector<16xf32>
    %reduce_max3A_134 = vector.multi_reduction <maximumf>, %get3A_132, %reduce_max3A_133 [1] : vector<16x1024xf32> to vector<16xf32>
    %get3A_135 = arith.constant 0 : index
    %get3A_136 = arith.constant 25600 : index
    %get3A_137 = vector.load %arg1[%get3A_135, %get3A_136] : memref<16x26624xf32, #tpu.memory_space<vmem>>, vector<16x1024xf32>
    %reduce_max3A_138 = arith.constant dense<0xFF800000> : vector<16xf32>
    %reduce_max3A_139 = vector.multi_reduction <maximumf>, %get3A_137, %reduce_max3A_138 [1] : vector<16x1024xf32> to vector<16xf32>
    %get3A_140 = arith.constant 0 : index
    %get3A_141 = arith.constant 0 : index
    %get3A_142 = vector.load %arg2[%get3A_140, %get3A_141] : memref<16x26624xf32, #tpu.memory_space<vmem>>, vector<16x1024xf32>
    %reduce_max3A_143 = arith.constant dense<0xFF800000> : vector<16xf32>
    %reduce_max3A_144 = vector.multi_reduction <maximumf>, %get3A_142, %reduce_max3A_143 [1] : vector<16x1024xf32> to vector<16xf32>
    %get3A_145 = arith.constant 0 : index
    %get3A_146 = arith.constant 1024 : index
    %get3A_147 = vector.load %arg2[%get3A_145, %get3A_146] : memref<16x26624xf32, #tpu.memory_space<vmem>>, vector<16x1024xf32>
    %reduce_max3A_148 = arith.constant dense<0xFF800000> : vector<16xf32>
    %reduce_max3A_149 = vector.multi_reduction <maximumf>, %get3A_147, %reduce_max3A_148 [1] : vector<16x1024xf32> to vector<16xf32>
    %get3A_150 = arith.constant 0 : index
    %get3A_151 = arith.constant 2048 : index
    %get3A_152 = vector.load %arg2[%get3A_150, %get3A_151] : memref<16x26624xf32, #tpu.memory_space<vmem>>, vector<16x1024xf32>
    %reduce_max3A_153 = arith.constant dense<0xFF800000> : vector<16xf32>
    %reduce_max3A_154 = vector.multi_reduction <maximumf>, %get3A_152, %reduce_max3A_153 [1] : vector<16x1024xf32> to vector<16xf32>
    %get3A_155 = arith.constant 0 : index
    %get3A_156 = arith.constant 3072 : index
    %get3A_157 = vector.load %arg2[%get3A_155, %get3A_156] : memref<16x26624xf32, #tpu.memory_space<vmem>>, vector<16x1024xf32>
    %reduce_max3A_158 = arith.constant dense<0xFF800000> : vector<16xf32>
    %reduce_max3A_159 = vector.multi_reduction <maximumf>, %get3A_157, %reduce_max3A_158 [1] : vector<16x1024xf32> to vector<16xf32>
    %get3A_160 = arith.constant 0 : index
    %get3A_161 = arith.constant 4096 : index
    %get3A_162 = vector.load %arg2[%get3A_160, %get3A_161] : memref<16x26624xf32, #tpu.memory_space<vmem>>, vector<16x1024xf32>
    %reduce_max3A_163 = arith.constant dense<0xFF800000> : vector<16xf32>
    %reduce_max3A_164 = vector.multi_reduction <maximumf>, %get3A_162, %reduce_max3A_163 [1] : vector<16x1024xf32> to vector<16xf32>
    %get3A_165 = arith.constant 0 : index
    %get3A_166 = arith.constant 5120 : index
    %get3A_167 = vector.load %arg2[%get3A_165, %get3A_166] : memref<16x26624xf32, #tpu.memory_space<vmem>>, vector<16x1024xf32>
    %reduce_max3A_168 = arith.constant dense<0xFF800000> : vector<16xf32>
    %reduce_max3A_169 = vector.multi_reduction <maximumf>, %get3A_167, %reduce_max3A_168 [1] : vector<16x1024xf32> to vector<16xf32>
    %get3A_170 = arith.constant 0 : index
    %get3A_171 = arith.constant 6144 : index
    %get3A_172 = vector.load %arg2[%get3A_170, %get3A_171] : memref<16x26624xf32, #tpu.memory_space<vmem>>, vector<16x1024xf32>
    %reduce_max3A_173 = arith.constant dense<0xFF800000> : vector<16xf32>
    %reduce_max3A_174 = vector.multi_reduction <maximumf>, %get3A_172, %reduce_max3A_173 [1] : vector<16x1024xf32> to vector<16xf32>
    %get3A_175 = arith.constant 0 : index
    %get3A_176 = arith.constant 7168 : index
    %get3A_177 = vector.load %arg2[%get3A_175, %get3A_176] : memref<16x26624xf32, #tpu.memory_space<vmem>>, vector<16x1024xf32>
    %reduce_max3A_178 = arith.constant dense<0xFF800000> : vector<16xf32>
    %reduce_max3A_179 = vector.multi_reduction <maximumf>, %get3A_177, %reduce_max3A_178 [1] : vector<16x1024xf32> to vector<16xf32>
    %get3A_180 = arith.constant 0 : index
    %get3A_181 = arith.constant 8192 : index
    %get3A_182 = vector.load %arg2[%get3A_180, %get3A_181] : memref<16x26624xf32, #tpu.memory_space<vmem>>, vector<16x1024xf32>
    %reduce_max3A_183 = arith.constant dense<0xFF800000> : vector<16xf32>
    %reduce_max3A_184 = vector.multi_reduction <maximumf>, %get3A_182, %reduce_max3A_183 [1] : vector<16x1024xf32> to vector<16xf32>
    %get3A_185 = arith.constant 0 : index
    %get3A_186 = arith.constant 9216 : index
    %get3A_187 = vector.load %arg2[%get3A_185, %get3A_186] : memref<16x26624xf32, #tpu.memory_space<vmem>>, vector<16x1024xf32>
    %reduce_max3A_188 = arith.constant dense<0xFF800000> : vector<16xf32>
    %reduce_max3A_189 = vector.multi_reduction <maximumf>, %get3A_187, %reduce_max3A_188 [1] : vector<16x1024xf32> to vector<16xf32>
    %get3A_190 = arith.constant 0 : index
    %get3A_191 = arith.constant 10240 : index
    %get3A_192 = vector.load %arg2[%get3A_190, %get3A_191] : memref<16x26624xf32, #tpu.memory_space<vmem>>, vector<16x1024xf32>
    %reduce_max3A_193 = arith.constant dense<0xFF800000> : vector<16xf32>
    %reduce_max3A_194 = vector.multi_reduction <maximumf>, %get3A_192, %reduce_max3A_193 [1] : vector<16x1024xf32> to vector<16xf32>
    %get3A_195 = arith.constant 0 : index
    %get3A_196 = arith.constant 11264 : index
    %get3A_197 = vector.load %arg2[%get3A_195, %get3A_196] : memref<16x26624xf32, #tpu.memory_space<vmem>>, vector<16x1024xf32>
    %reduce_max3A_198 = arith.constant dense<0xFF800000> : vector<16xf32>
    %reduce_max3A_199 = vector.multi_reduction <maximumf>, %get3A_197, %reduce_max3A_198 [1] : vector<16x1024xf32> to vector<16xf32>
    %get3A_200 = arith.constant 0 : index
    %get3A_201 = arith.constant 12288 : index
    %get3A_202 = vector.load %arg2[%get3A_200, %get3A_201] : memref<16x26624xf32, #tpu.memory_space<vmem>>, vector<16x1024xf32>
    %reduce_max3A_203 = arith.constant dense<0xFF800000> : vector<16xf32>
    %reduce_max3A_204 = vector.multi_reduction <maximumf>, %get3A_202, %reduce_max3A_203 [1] : vector<16x1024xf32> to vector<16xf32>
    %get3A_205 = arith.constant 0 : index
    %get3A_206 = arith.constant 13312 : index
    %get3A_207 = vector.load %arg2[%get3A_205, %get3A_206] : memref<16x26624xf32, #tpu.memory_space<vmem>>, vector<16x1024xf32>
    %reduce_max3A_208 = arith.constant dense<0xFF800000> : vector<16xf32>
    %reduce_max3A_209 = vector.multi_reduction <maximumf>, %get3A_207, %reduce_max3A_208 [1] : vector<16x1024xf32> to vector<16xf32>
    %get3A_210 = arith.constant 0 : index
    %get3A_211 = arith.constant 14336 : index
    %get3A_212 = vector.load %arg2[%get3A_210, %get3A_211] : memref<16x26624xf32, #tpu.memory_space<vmem>>, vector<16x1024xf32>
    %reduce_max3A_213 = arith.constant dense<0xFF800000> : vector<16xf32>
    %reduce_max3A_214 = vector.multi_reduction <maximumf>, %get3A_212, %reduce_max3A_213 [1] : vector<16x1024xf32> to vector<16xf32>
    %get3A_215 = arith.constant 0 : index
    %get3A_216 = arith.constant 15360 : index
    %get3A_217 = vector.load %arg2[%get3A_215, %get3A_216] : memref<16x26624xf32, #tpu.memory_space<vmem>>, vector<16x1024xf32>
    %reduce_max3A_218 = arith.constant dense<0xFF800000> : vector<16xf32>
    %reduce_max3A_219 = vector.multi_reduction <maximumf>, %get3A_217, %reduce_max3A_218 [1] : vector<16x1024xf32> to vector<16xf32>
    %get3A_220 = arith.constant 0 : index
    %get3A_221 = arith.constant 16384 : index
    %get3A_222 = vector.load %arg2[%get3A_220, %get3A_221] : memref<16x26624xf32, #tpu.memory_space<vmem>>, vector<16x1024xf32>
    %reduce_max3A_223 = arith.constant dense<0xFF800000> : vector<16xf32>
    %reduce_max3A_224 = vector.multi_reduction <maximumf>, %get3A_222, %reduce_max3A_223 [1] : vector<16x1024xf32> to vector<16xf32>
    %get3A_225 = arith.constant 0 : index
    %get3A_226 = arith.constant 17408 : index
    %get3A_227 = vector.load %arg2[%get3A_225, %get3A_226] : memref<16x26624xf32, #tpu.memory_space<vmem>>, vector<16x1024xf32>
    %reduce_max3A_228 = arith.constant dense<0xFF800000> : vector<16xf32>
    %reduce_max3A_229 = vector.multi_reduction <maximumf>, %get3A_227, %reduce_max3A_228 [1] : vector<16x1024xf32> to vector<16xf32>
    %get3A_230 = arith.constant 0 : index
    %get3A_231 = arith.constant 18432 : index
    %get3A_232 = vector.load %arg2[%get3A_230, %get3A_231] : memref<16x26624xf32, #tpu.memory_space<vmem>>, vector<16x1024xf32>
    %reduce_max3A_233 = arith.constant dense<0xFF800000> : vector<16xf32>
    %reduce_max3A_234 = vector.multi_reduction <maximumf>, %get3A_232, %reduce_max3A_233 [1] : vector<16x1024xf32> to vector<16xf32>
    %get3A_235 = arith.constant 0 : index
    %get3A_236 = arith.constant 19456 : index
    %get3A_237 = vector.load %arg2[%get3A_235, %get3A_236] : memref<16x26624xf32, #tpu.memory_space<vmem>>, vector<16x1024xf32>
    %reduce_max3A_238 = arith.constant dense<0xFF800000> : vector<16xf32>
    %reduce_max3A_239 = vector.multi_reduction <maximumf>, %get3A_237, %reduce_max3A_238 [1] : vector<16x1024xf32> to vector<16xf32>
    %get3A_240 = arith.constant 0 : index
    %get3A_241 = arith.constant 20480 : index
    %get3A_242 = vector.load %arg2[%get3A_240, %get3A_241] : memref<16x26624xf32, #tpu.memory_space<vmem>>, vector<16x1024xf32>
    %reduce_max3A_243 = arith.constant dense<0xFF800000> : vector<16xf32>
    %reduce_max3A_244 = vector.multi_reduction <maximumf>, %get3A_242, %reduce_max3A_243 [1] : vector<16x1024xf32> to vector<16xf32>
    %get3A_245 = arith.constant 0 : index
    %get3A_246 = arith.constant 21504 : index
    %get3A_247 = vector.load %arg2[%get3A_245, %get3A_246] : memref<16x26624xf32, #tpu.memory_space<vmem>>, vector<16x1024xf32>
    %reduce_max3A_248 = arith.constant dense<0xFF800000> : vector<16xf32>
    %reduce_max3A_249 = vector.multi_reduction <maximumf>, %get3A_247, %reduce_max3A_248 [1] : vector<16x1024xf32> to vector<16xf32>
    %get3A_250 = arith.constant 0 : index
    %get3A_251 = arith.constant 22528 : index
    %get3A_252 = vector.load %arg2[%get3A_250, %get3A_251] : memref<16x26624xf32, #tpu.memory_space<vmem>>, vector<16x1024xf32>
    %reduce_max3A_253 = arith.constant dense<0xFF800000> : vector<16xf32>
    %reduce_max3A_254 = vector.multi_reduction <maximumf>, %get3A_252, %reduce_max3A_253 [1] : vector<16x1024xf32> to vector<16xf32>
    %get3A_255 = arith.constant 0 : index
    %get3A_256 = arith.constant 23552 : index
    %get3A_257 = vector.load %arg2[%get3A_255, %get3A_256] : memref<16x26624xf32, #tpu.memory_space<vmem>>, vector<16x1024xf32>
    %reduce_max3A_258 = arith.constant dense<0xFF800000> : vector<16xf32>
    %reduce_max3A_259 = vector.multi_reduction <maximumf>, %get3A_257, %reduce_max3A_258 [1] : vector<16x1024xf32> to vector<16xf32>
    %get3A_260 = arith.constant 0 : index
    %get3A_261 = arith.constant 24576 : index
    %get3A_262 = vector.load %arg2[%get3A_260, %get3A_261] : memref<16x26624xf32, #tpu.memory_space<vmem>>, vector<16x1024xf32>
    %reduce_max3A_263 = arith.constant dense<0xFF800000> : vector<16xf32>
    %reduce_max3A_264 = vector.multi_reduction <maximumf>, %get3A_262, %reduce_max3A_263 [1] : vector<16x1024xf32> to vector<16xf32>
    %get3A_265 = arith.constant 0 : index
    %get3A_266 = arith.constant 25600 : index
    %get3A_267 = vector.load %arg2[%get3A_265, %get3A_266] : memref<16x26624xf32, #tpu.memory_space<vmem>>, vector<16x1024xf32>
    %reduce_max3A_268 = arith.constant dense<0xFF800000> : vector<16xf32>
    %reduce_max3A_269 = vector.multi_reduction <maximumf>, %get3A_267, %reduce_max3A_268 [1] : vector<16x1024xf32> to vector<16xf32>
    %get3A_270 = arith.constant 0 : index
    %get3A_271 = arith.constant 0 : index
    %get3A_272 = vector.load %arg3[%get3A_270, %get3A_271] : memref<16x26624xf32, #tpu.memory_space<vmem>>, vector<16x1024xf32>
    %reduce_max3A_273 = arith.constant dense<0xFF800000> : vector<16xf32>
    %reduce_max3A_274 = vector.multi_reduction <maximumf>, %get3A_272, %reduce_max3A_273 [1] : vector<16x1024xf32> to vector<16xf32>
    %get3A_275 = arith.constant 0 : index
    %get3A_276 = arith.constant 1024 : index
    %get3A_277 = vector.load %arg3[%get3A_275, %get3A_276] : memref<16x26624xf32, #tpu.memory_space<vmem>>, vector<16x1024xf32>
    %reduce_max3A_278 = arith.constant dense<0xFF800000> : vector<16xf32>
    %reduce_max3A_279 = vector.multi_reduction <maximumf>, %get3A_277, %reduce_max3A_278 [1] : vector<16x1024xf32> to vector<16xf32>
    %get3A_280 = arith.constant 0 : index
    %get3A_281 = arith.constant 2048 : index
    %get3A_282 = vector.load %arg3[%get3A_280, %get3A_281] : memref<16x26624xf32, #tpu.memory_space<vmem>>, vector<16x1024xf32>
    %reduce_max3A_283 = arith.constant dense<0xFF800000> : vector<16xf32>
    %reduce_max3A_284 = vector.multi_reduction <maximumf>, %get3A_282, %reduce_max3A_283 [1] : vector<16x1024xf32> to vector<16xf32>
    %get3A_285 = arith.constant 0 : index
    %get3A_286 = arith.constant 3072 : index
    %get3A_287 = vector.load %arg3[%get3A_285, %get3A_286] : memref<16x26624xf32, #tpu.memory_space<vmem>>, vector<16x1024xf32>
    %reduce_max3A_288 = arith.constant dense<0xFF800000> : vector<16xf32>
    %reduce_max3A_289 = vector.multi_reduction <maximumf>, %get3A_287, %reduce_max3A_288 [1] : vector<16x1024xf32> to vector<16xf32>
    %get3A_290 = arith.constant 0 : index
    %get3A_291 = arith.constant 4096 : index
    %get3A_292 = vector.load %arg3[%get3A_290, %get3A_291] : memref<16x26624xf32, #tpu.memory_space<vmem>>, vector<16x1024xf32>
    %reduce_max3A_293 = arith.constant dense<0xFF800000> : vector<16xf32>
    %reduce_max3A_294 = vector.multi_reduction <maximumf>, %get3A_292, %reduce_max3A_293 [1] : vector<16x1024xf32> to vector<16xf32>
    %get3A_295 = arith.constant 0 : index
    %get3A_296 = arith.constant 5120 : index
    %get3A_297 = vector.load %arg3[%get3A_295, %get3A_296] : memref<16x26624xf32, #tpu.memory_space<vmem>>, vector<16x1024xf32>
    %reduce_max3A_298 = arith.constant dense<0xFF800000> : vector<16xf32>
    %reduce_max3A_299 = vector.multi_reduction <maximumf>, %get3A_297, %reduce_max3A_298 [1] : vector<16x1024xf32> to vector<16xf32>
    %get3A_300 = arith.constant 0 : index
    %get3A_301 = arith.constant 6144 : index
    %get3A_302 = vector.load %arg3[%get3A_300, %get3A_301] : memref<16x26624xf32, #tpu.memory_space<vmem>>, vector<16x1024xf32>
    %reduce_max3A_303 = arith.constant dense<0xFF800000> : vector<16xf32>
    %reduce_max3A_304 = vector.multi_reduction <maximumf>, %get3A_302, %reduce_max3A_303 [1] : vector<16x1024xf32> to vector<16xf32>
    %get3A_305 = arith.constant 0 : index
    %get3A_306 = arith.constant 7168 : index
    %get3A_307 = vector.load %arg3[%get3A_305, %get3A_306] : memref<16x26624xf32, #tpu.memory_space<vmem>>, vector<16x1024xf32>
    %reduce_max3A_308 = arith.constant dense<0xFF800000> : vector<16xf32>
    %reduce_max3A_309 = vector.multi_reduction <maximumf>, %get3A_307, %reduce_max3A_308 [1] : vector<16x1024xf32> to vector<16xf32>
    %get3A_310 = arith.constant 0 : index
    %get3A_311 = arith.constant 8192 : index
    %get3A_312 = vector.load %arg3[%get3A_310, %get3A_311] : memref<16x26624xf32, #tpu.memory_space<vmem>>, vector<16x1024xf32>
    %reduce_max3A_313 = arith.constant dense<0xFF800000> : vector<16xf32>
    %reduce_max3A_314 = vector.multi_reduction <maximumf>, %get3A_312, %reduce_max3A_313 [1] : vector<16x1024xf32> to vector<16xf32>
    %get3A_315 = arith.constant 0 : index
    %get3A_316 = arith.constant 9216 : index
    %get3A_317 = vector.load %arg3[%get3A_315, %get3A_316] : memref<16x26624xf32, #tpu.memory_space<vmem>>, vector<16x1024xf32>
    %reduce_max3A_318 = arith.constant dense<0xFF800000> : vector<16xf32>
    %reduce_max3A_319 = vector.multi_reduction <maximumf>, %get3A_317, %reduce_max3A_318 [1] : vector<16x1024xf32> to vector<16xf32>
    %get3A_320 = arith.constant 0 : index
    %get3A_321 = arith.constant 10240 : index
    %get3A_322 = vector.load %arg3[%get3A_320, %get3A_321] : memref<16x26624xf32, #tpu.memory_space<vmem>>, vector<16x1024xf32>
    %reduce_max3A_323 = arith.constant dense<0xFF800000> : vector<16xf32>
    %reduce_max3A_324 = vector.multi_reduction <maximumf>, %get3A_322, %reduce_max3A_323 [1] : vector<16x1024xf32> to vector<16xf32>
    %get3A_325 = arith.constant 0 : index
    %get3A_326 = arith.constant 11264 : index
    %get3A_327 = vector.load %arg3[%get3A_325, %get3A_326] : memref<16x26624xf32, #tpu.memory_space<vmem>>, vector<16x1024xf32>
    %reduce_max3A_328 = arith.constant dense<0xFF800000> : vector<16xf32>
    %reduce_max3A_329 = vector.multi_reduction <maximumf>, %get3A_327, %reduce_max3A_328 [1] : vector<16x1024xf32> to vector<16xf32>
    %get3A_330 = arith.constant 0 : index
    %get3A_331 = arith.constant 12288 : index
    %get3A_332 = vector.load %arg3[%get3A_330, %get3A_331] : memref<16x26624xf32, #tpu.memory_space<vmem>>, vector<16x1024xf32>
    %reduce_max3A_333 = arith.constant dense<0xFF800000> : vector<16xf32>
    %reduce_max3A_334 = vector.multi_reduction <maximumf>, %get3A_332, %reduce_max3A_333 [1] : vector<16x1024xf32> to vector<16xf32>
    %get3A_335 = arith.constant 0 : index
    %get3A_336 = arith.constant 13312 : index
    %get3A_337 = vector.load %arg3[%get3A_335, %get3A_336] : memref<16x26624xf32, #tpu.memory_space<vmem>>, vector<16x1024xf32>
    %reduce_max3A_338 = arith.constant dense<0xFF800000> : vector<16xf32>
    %reduce_max3A_339 = vector.multi_reduction <maximumf>, %get3A_337, %reduce_max3A_338 [1] : vector<16x1024xf32> to vector<16xf32>
    %get3A_340 = arith.constant 0 : index
    %get3A_341 = arith.constant 14336 : index
    %get3A_342 = vector.load %arg3[%get3A_340, %get3A_341] : memref<16x26624xf32, #tpu.memory_space<vmem>>, vector<16x1024xf32>
    %reduce_max3A_343 = arith.constant dense<0xFF800000> : vector<16xf32>
    %reduce_max3A_344 = vector.multi_reduction <maximumf>, %get3A_342, %reduce_max3A_343 [1] : vector<16x1024xf32> to vector<16xf32>
    %get3A_345 = arith.constant 0 : index
    %get3A_346 = arith.constant 15360 : index
    %get3A_347 = vector.load %arg3[%get3A_345, %get3A_346] : memref<16x26624xf32, #tpu.memory_space<vmem>>, vector<16x1024xf32>
    %reduce_max3A_348 = arith.constant dense<0xFF800000> : vector<16xf32>
    %reduce_max3A_349 = vector.multi_reduction <maximumf>, %get3A_347, %reduce_max3A_348 [1] : vector<16x1024xf32> to vector<16xf32>
    %get3A_350 = arith.constant 0 : index
    %get3A_351 = arith.constant 16384 : index
    %get3A_352 = vector.load %arg3[%get3A_350, %get3A_351] : memref<16x26624xf32, #tpu.memory_space<vmem>>, vector<16x1024xf32>
    %reduce_max3A_353 = arith.constant dense<0xFF800000> : vector<16xf32>
    %reduce_max3A_354 = vector.multi_reduction <maximumf>, %get3A_352, %reduce_max3A_353 [1] : vector<16x1024xf32> to vector<16xf32>
    %get3A_355 = arith.constant 0 : index
    %get3A_356 = arith.constant 17408 : index
    %get3A_357 = vector.load %arg3[%get3A_355, %get3A_356] : memref<16x26624xf32, #tpu.memory_space<vmem>>, vector<16x1024xf32>
    %reduce_max3A_358 = arith.constant dense<0xFF800000> : vector<16xf32>
    %reduce_max3A_359 = vector.multi_reduction <maximumf>, %get3A_357, %reduce_max3A_358 [1] : vector<16x1024xf32> to vector<16xf32>
    %get3A_360 = arith.constant 0 : index
    %get3A_361 = arith.constant 18432 : index
    %get3A_362 = vector.load %arg3[%get3A_360, %get3A_361] : memref<16x26624xf32, #tpu.memory_space<vmem>>, vector<16x1024xf32>
    %reduce_max3A_363 = arith.constant dense<0xFF800000> : vector<16xf32>
    %reduce_max3A_364 = vector.multi_reduction <maximumf>, %get3A_362, %reduce_max3A_363 [1] : vector<16x1024xf32> to vector<16xf32>
    %get3A_365 = arith.constant 0 : index
    %get3A_366 = arith.constant 19456 : index
    %get3A_367 = vector.load %arg3[%get3A_365, %get3A_366] : memref<16x26624xf32, #tpu.memory_space<vmem>>, vector<16x1024xf32>
    %reduce_max3A_368 = arith.constant dense<0xFF800000> : vector<16xf32>
    %reduce_max3A_369 = vector.multi_reduction <maximumf>, %get3A_367, %reduce_max3A_368 [1] : vector<16x1024xf32> to vector<16xf32>
    %get3A_370 = arith.constant 0 : index
    %get3A_371 = arith.constant 20480 : index
    %get3A_372 = vector.load %arg3[%get3A_370, %get3A_371] : memref<16x26624xf32, #tpu.memory_space<vmem>>, vector<16x1024xf32>
    %reduce_max3A_373 = arith.constant dense<0xFF800000> : vector<16xf32>
    %reduce_max3A_374 = vector.multi_reduction <maximumf>, %get3A_372, %reduce_max3A_373 [1] : vector<16x1024xf32> to vector<16xf32>
    %get3A_375 = arith.constant 0 : index
    %get3A_376 = arith.constant 21504 : index
    %get3A_377 = vector.load %arg3[%get3A_375, %get3A_376] : memref<16x26624xf32, #tpu.memory_space<vmem>>, vector<16x1024xf32>
    %reduce_max3A_378 = arith.constant dense<0xFF800000> : vector<16xf32>
    %reduce_max3A_379 = vector.multi_reduction <maximumf>, %get3A_377, %reduce_max3A_378 [1] : vector<16x1024xf32> to vector<16xf32>
    %get3A_380 = arith.constant 0 : index
    %get3A_381 = arith.constant 22528 : index
    %get3A_382 = vector.load %arg3[%get3A_380, %get3A_381] : memref<16x26624xf32, #tpu.memory_space<vmem>>, vector<16x1024xf32>
    %reduce_max3A_383 = arith.constant dense<0xFF800000> : vector<16xf32>
    %reduce_max3A_384 = vector.multi_reduction <maximumf>, %get3A_382, %reduce_max3A_383 [1] : vector<16x1024xf32> to vector<16xf32>
    %get3A_385 = arith.constant 0 : index
    %get3A_386 = arith.constant 23552 : index
    %get3A_387 = vector.load %arg3[%get3A_385, %get3A_386] : memref<16x26624xf32, #tpu.memory_space<vmem>>, vector<16x1024xf32>
    %reduce_max3A_388 = arith.constant dense<0xFF800000> : vector<16xf32>
    %reduce_max3A_389 = vector.multi_reduction <maximumf>, %get3A_387, %reduce_max3A_388 [1] : vector<16x1024xf32> to vector<16xf32>
    %get3A_390 = arith.constant 0 : index
    %get3A_391 = arith.constant 24576 : index
    %get3A_392 = vector.load %arg3[%get3A_390, %get3A_391] : memref<16x26624xf32, #tpu.memory_space<vmem>>, vector<16x1024xf32>
    %reduce_max3A_393 = arith.constant dense<0xFF800000> : vector<16xf32>
    %reduce_max3A_394 = vector.multi_reduction <maximumf>, %get3A_392, %reduce_max3A_393 [1] : vector<16x1024xf32> to vector<16xf32>
    %get3A_395 = arith.constant 0 : index
    %get3A_396 = arith.constant 25600 : index
    %get3A_397 = vector.load %arg3[%get3A_395, %get3A_396] : memref<16x26624xf32, #tpu.memory_space<vmem>>, vector<16x1024xf32>
    %reduce_max3A_398 = arith.constant dense<0xFF800000> : vector<16xf32>
    %reduce_max3A_399 = vector.multi_reduction <maximumf>, %get3A_397, %reduce_max3A_398 [1] : vector<16x1024xf32> to vector<16xf32>
    %get3A_400 = arith.constant 0 : index
    %get3A_401 = arith.constant 0 : index
    %get3A_402 = vector.load %arg4[%get3A_400, %get3A_401] : memref<16x26624xf32, #tpu.memory_space<vmem>>, vector<16x1024xf32>
    %reduce_max3A_403 = arith.constant dense<0xFF800000> : vector<16xf32>
    %reduce_max3A_404 = vector.multi_reduction <maximumf>, %get3A_402, %reduce_max3A_403 [1] : vector<16x1024xf32> to vector<16xf32>
    %get3A_405 = arith.constant 0 : index
    %get3A_406 = arith.constant 1024 : index
    %get3A_407 = vector.load %arg4[%get3A_405, %get3A_406] : memref<16x26624xf32, #tpu.memory_space<vmem>>, vector<16x1024xf32>
    %reduce_max3A_408 = arith.constant dense<0xFF800000> : vector<16xf32>
    %reduce_max3A_409 = vector.multi_reduction <maximumf>, %get3A_407, %reduce_max3A_408 [1] : vector<16x1024xf32> to vector<16xf32>
    %get3A_410 = arith.constant 0 : index
    %get3A_411 = arith.constant 2048 : index
    %get3A_412 = vector.load %arg4[%get3A_410, %get3A_411] : memref<16x26624xf32, #tpu.memory_space<vmem>>, vector<16x1024xf32>
    %reduce_max3A_413 = arith.constant dense<0xFF800000> : vector<16xf32>
    %reduce_max3A_414 = vector.multi_reduction <maximumf>, %get3A_412, %reduce_max3A_413 [1] : vector<16x1024xf32> to vector<16xf32>
    %get3A_415 = arith.constant 0 : index
    %get3A_416 = arith.constant 3072 : index
    %get3A_417 = vector.load %arg4[%get3A_415, %get3A_416] : memref<16x26624xf32, #tpu.memory_space<vmem>>, vector<16x1024xf32>
    %reduce_max3A_418 = arith.constant dense<0xFF800000> : vector<16xf32>
    %reduce_max3A_419 = vector.multi_reduction <maximumf>, %get3A_417, %reduce_max3A_418 [1] : vector<16x1024xf32> to vector<16xf32>
    %get3A_420 = arith.constant 0 : index
    %get3A_421 = arith.constant 4096 : index
    %get3A_422 = vector.load %arg4[%get3A_420, %get3A_421] : memref<16x26624xf32, #tpu.memory_space<vmem>>, vector<16x1024xf32>
    %reduce_max3A_423 = arith.constant dense<0xFF800000> : vector<16xf32>
    %reduce_max3A_424 = vector.multi_reduction <maximumf>, %get3A_422, %reduce_max3A_423 [1] : vector<16x1024xf32> to vector<16xf32>
    %get3A_425 = arith.constant 0 : index
    %get3A_426 = arith.constant 5120 : index
    %get3A_427 = vector.load %arg4[%get3A_425, %get3A_426] : memref<16x26624xf32, #tpu.memory_space<vmem>>, vector<16x1024xf32>
    %reduce_max3A_428 = arith.constant dense<0xFF800000> : vector<16xf32>
    %reduce_max3A_429 = vector.multi_reduction <maximumf>, %get3A_427, %reduce_max3A_428 [1] : vector<16x1024xf32> to vector<16xf32>
    %get3A_430 = arith.constant 0 : index
    %get3A_431 = arith.constant 6144 : index
    %get3A_432 = vector.load %arg4[%get3A_430, %get3A_431] : memref<16x26624xf32, #tpu.memory_space<vmem>>, vector<16x1024xf32>
    %reduce_max3A_433 = arith.constant dense<0xFF800000> : vector<16xf32>
    %reduce_max3A_434 = vector.multi_reduction <maximumf>, %get3A_432, %reduce_max3A_433 [1] : vector<16x1024xf32> to vector<16xf32>
    %get3A_435 = arith.constant 0 : index
    %get3A_436 = arith.constant 7168 : index
    %get3A_437 = vector.load %arg4[%get3A_435, %get3A_436] : memref<16x26624xf32, #tpu.memory_space<vmem>>, vector<16x1024xf32>
    %reduce_max3A_438 = arith.constant dense<0xFF800000> : vector<16xf32>
    %reduce_max3A_439 = vector.multi_reduction <maximumf>, %get3A_437, %reduce_max3A_438 [1] : vector<16x1024xf32> to vector<16xf32>
    %get3A_440 = arith.constant 0 : index
    %get3A_441 = arith.constant 8192 : index
    %get3A_442 = vector.load %arg4[%get3A_440, %get3A_441] : memref<16x26624xf32, #tpu.memory_space<vmem>>, vector<16x1024xf32>
    %reduce_max3A_443 = arith.constant dense<0xFF800000> : vector<16xf32>
    %reduce_max3A_444 = vector.multi_reduction <maximumf>, %get3A_442, %reduce_max3A_443 [1] : vector<16x1024xf32> to vector<16xf32>
    %get3A_445 = arith.constant 0 : index
    %get3A_446 = arith.constant 9216 : index
    %get3A_447 = vector.load %arg4[%get3A_445, %get3A_446] : memref<16x26624xf32, #tpu.memory_space<vmem>>, vector<16x1024xf32>
    %reduce_max3A_448 = arith.constant dense<0xFF800000> : vector<16xf32>
    %reduce_max3A_449 = vector.multi_reduction <maximumf>, %get3A_447, %reduce_max3A_448 [1] : vector<16x1024xf32> to vector<16xf32>
    %get3A_450 = arith.constant 0 : index
    %get3A_451 = arith.constant 10240 : index
    %get3A_452 = vector.load %arg4[%get3A_450, %get3A_451] : memref<16x26624xf32, #tpu.memory_space<vmem>>, vector<16x1024xf32>
    %reduce_max3A_453 = arith.constant dense<0xFF800000> : vector<16xf32>
    %reduce_max3A_454 = vector.multi_reduction <maximumf>, %get3A_452, %reduce_max3A_453 [1] : vector<16x1024xf32> to vector<16xf32>
    %get3A_455 = arith.constant 0 : index
    %get3A_456 = arith.constant 11264 : index
    %get3A_457 = vector.load %arg4[%get3A_455, %get3A_456] : memref<16x26624xf32, #tpu.memory_space<vmem>>, vector<16x1024xf32>
    %reduce_max3A_458 = arith.constant dense<0xFF800000> : vector<16xf32>
    %reduce_max3A_459 = vector.multi_reduction <maximumf>, %get3A_457, %reduce_max3A_458 [1] : vector<16x1024xf32> to vector<16xf32>
    %get3A_460 = arith.constant 0 : index
    %get3A_461 = arith.constant 12288 : index
    %get3A_462 = vector.load %arg4[%get3A_460, %get3A_461] : memref<16x26624xf32, #tpu.memory_space<vmem>>, vector<16x1024xf32>
    %reduce_max3A_463 = arith.constant dense<0xFF800000> : vector<16xf32>
    %reduce_max3A_464 = vector.multi_reduction <maximumf>, %get3A_462, %reduce_max3A_463 [1] : vector<16x1024xf32> to vector<16xf32>
    %get3A_465 = arith.constant 0 : index
    %get3A_466 = arith.constant 13312 : index
    %get3A_467 = vector.load %arg4[%get3A_465, %get3A_466] : memref<16x26624xf32, #tpu.memory_space<vmem>>, vector<16x1024xf32>
    %reduce_max3A_468 = arith.constant dense<0xFF800000> : vector<16xf32>
    %reduce_max3A_469 = vector.multi_reduction <maximumf>, %get3A_467, %reduce_max3A_468 [1] : vector<16x1024xf32> to vector<16xf32>
    %get3A_470 = arith.constant 0 : index
    %get3A_471 = arith.constant 14336 : index
    %get3A_472 = vector.load %arg4[%get3A_470, %get3A_471] : memref<16x26624xf32, #tpu.memory_space<vmem>>, vector<16x1024xf32>
    %reduce_max3A_473 = arith.constant dense<0xFF800000> : vector<16xf32>
    %reduce_max3A_474 = vector.multi_reduction <maximumf>, %get3A_472, %reduce_max3A_473 [1] : vector<16x1024xf32> to vector<16xf32>
    %get3A_475 = arith.constant 0 : index
    %get3A_476 = arith.constant 15360 : index
    %get3A_477 = vector.load %arg4[%get3A_475, %get3A_476] : memref<16x26624xf32, #tpu.memory_space<vmem>>, vector<16x1024xf32>
    %reduce_max3A_478 = arith.constant dense<0xFF800000> : vector<16xf32>
    %reduce_max3A_479 = vector.multi_reduction <maximumf>, %get3A_477, %reduce_max3A_478 [1] : vector<16x1024xf32> to vector<16xf32>
    %get3A_480 = arith.constant 0 : index
    %get3A_481 = arith.constant 16384 : index
    %get3A_482 = vector.load %arg4[%get3A_480, %get3A_481] : memref<16x26624xf32, #tpu.memory_space<vmem>>, vector<16x1024xf32>
    %reduce_max3A_483 = arith.constant dense<0xFF800000> : vector<16xf32>
    %reduce_max3A_484 = vector.multi_reduction <maximumf>, %get3A_482, %reduce_max3A_483 [1] : vector<16x1024xf32> to vector<16xf32>
    %get3A_485 = arith.constant 0 : index
    %get3A_486 = arith.constant 17408 : index
    %get3A_487 = vector.load %arg4[%get3A_485, %get3A_486] : memref<16x26624xf32, #tpu.memory_space<vmem>>, vector<16x1024xf32>
    %reduce_max3A_488 = arith.constant dense<0xFF800000> : vector<16xf32>
    %reduce_max3A_489 = vector.multi_reduction <maximumf>, %get3A_487, %reduce_max3A_488 [1] : vector<16x1024xf32> to vector<16xf32>
    %get3A_490 = arith.constant 0 : index
    %get3A_491 = arith.constant 18432 : index
    %get3A_492 = vector.load %arg4[%get3A_490, %get3A_491] : memref<16x26624xf32, #tpu.memory_space<vmem>>, vector<16x1024xf32>
    %reduce_max3A_493 = arith.constant dense<0xFF800000> : vector<16xf32>
    %reduce_max3A_494 = vector.multi_reduction <maximumf>, %get3A_492, %reduce_max3A_493 [1] : vector<16x1024xf32> to vector<16xf32>
    %get3A_495 = arith.constant 0 : index
    %get3A_496 = arith.constant 19456 : index
    %get3A_497 = vector.load %arg4[%get3A_495, %get3A_496] : memref<16x26624xf32, #tpu.memory_space<vmem>>, vector<16x672xf32>
    %reduce_max3A_498 = arith.constant dense<0xFF800000> : vector<16xf32>
    %reduce_max3A_499 = vector.multi_reduction <maximumf>, %get3A_497, %reduce_max3A_498 [1] : vector<16x672xf32> to vector<16xf32>
    %stack3A = vector.shape_cast %reduce_max3A_14 : vector<16xf32> to vector<16x1xf32>
    %stack3A_500 = vector.shape_cast %reduce_max3A_19 : vector<16xf32> to vector<16x1xf32>
    %stack3A_501 = vector.shape_cast %reduce_max3A_24 : vector<16xf32> to vector<16x1xf32>
    %stack3A_502 = vector.shape_cast %reduce_max3A_29 : vector<16xf32> to vector<16x1xf32>
    %stack3A_503 = vector.shape_cast %reduce_max3A_34 : vector<16xf32> to vector<16x1xf32>
    %stack3A_504 = vector.shape_cast %reduce_max3A_39 : vector<16xf32> to vector<16x1xf32>
    %stack3A_505 = vector.shape_cast %reduce_max3A_44 : vector<16xf32> to vector<16x1xf32>
    %stack3A_506 = vector.shape_cast %reduce_max3A_49 : vector<16xf32> to vector<16x1xf32>
    %stack3A_507 = vector.shape_cast %reduce_max3A_54 : vector<16xf32> to vector<16x1xf32>
    %stack3A_508 = vector.shape_cast %reduce_max3A_59 : vector<16xf32> to vector<16x1xf32>
    %stack3A_509 = vector.shape_cast %reduce_max3A_64 : vector<16xf32> to vector<16x1xf32>
    %stack3A_510 = vector.shape_cast %reduce_max3A_69 : vector<16xf32> to vector<16x1xf32>
    %stack3A_511 = vector.shape_cast %reduce_max3A_74 : vector<16xf32> to vector<16x1xf32>
    %stack3A_512 = vector.shape_cast %reduce_max3A_79 : vector<16xf32> to vector<16x1xf32>
    %stack3A_513 = vector.shape_cast %reduce_max3A_84 : vector<16xf32> to vector<16x1xf32>
    %stack3A_514 = vector.shape_cast %reduce_max3A_89 : vector<16xf32> to vector<16x1xf32>
    %stack3A_515 = vector.shape_cast %reduce_max3A_94 : vector<16xf32> to vector<16x1xf32>
    %stack3A_516 = vector.shape_cast %reduce_max3A_99 : vector<16xf32> to vector<16x1xf32>
    %stack3A_517 = vector.shape_cast %reduce_max3A_104 : vector<16xf32> to vector<16x1xf32>
    %stack3A_518 = vector.shape_cast %reduce_max3A_109 : vector<16xf32> to vector<16x1xf32>
    %stack3A_519 = vector.shape_cast %reduce_max3A_114 : vector<16xf32> to vector<16x1xf32>
    %stack3A_520 = vector.shape_cast %reduce_max3A_119 : vector<16xf32> to vector<16x1xf32>
    %stack3A_521 = vector.shape_cast %reduce_max3A_124 : vector<16xf32> to vector<16x1xf32>
    %stack3A_522 = vector.shape_cast %reduce_max3A_129 : vector<16xf32> to vector<16x1xf32>
    %stack3A_523 = vector.shape_cast %reduce_max3A_134 : vector<16xf32> to vector<16x1xf32>
    %stack3A_524 = vector.shape_cast %reduce_max3A_139 : vector<16xf32> to vector<16x1xf32>
    %stack3A_525 = vector.shape_cast %reduce_max3A_144 : vector<16xf32> to vector<16x1xf32>
    %stack3A_526 = vector.shape_cast %reduce_max3A_149 : vector<16xf32> to vector<16x1xf32>
    %stack3A_527 = vector.shape_cast %reduce_max3A_154 : vector<16xf32> to vector<16x1xf32>
    %stack3A_528 = vector.shape_cast %reduce_max3A_159 : vector<16xf32> to vector<16x1xf32>
    %stack3A_529 = vector.shape_cast %reduce_max3A_164 : vector<16xf32> to vector<16x1xf32>
    %stack3A_530 = vector.shape_cast %reduce_max3A_169 : vector<16xf32> to vector<16x1xf32>
    %stack3A_531 = vector.shape_cast %reduce_max3A_174 : vector<16xf32> to vector<16x1xf32>
    %stack3A_532 = vector.shape_cast %reduce_max3A_179 : vector<16xf32> to vector<16x1xf32>
    %stack3A_533 = vector.shape_cast %reduce_max3A_184 : vector<16xf32> to vector<16x1xf32>
    %stack3A_534 = vector.shape_cast %reduce_max3A_189 : vector<16xf32> to vector<16x1xf32>
    %stack3A_535 = vector.shape_cast %reduce_max3A_194 : vector<16xf32> to vector<16x1xf32>
    %stack3A_536 = vector.shape_cast %reduce_max3A_199 : vector<16xf32> to vector<16x1xf32>
    %stack3A_537 = vector.shape_cast %reduce_max3A_204 : vector<16xf32> to vector<16x1xf32>
    %stack3A_538 = vector.shape_cast %reduce_max3A_209 : vector<16xf32> to vector<16x1xf32>
    %stack3A_539 = vector.shape_cast %reduce_max3A_214 : vector<16xf32> to vector<16x1xf32>
    %stack3A_540 = vector.shape_cast %reduce_max3A_219 : vector<16xf32> to vector<16x1xf32>
    %stack3A_541 = vector.shape_cast %reduce_max3A_224 : vector<16xf32> to vector<16x1xf32>
    %stack3A_542 = vector.shape_cast %reduce_max3A_229 : vector<16xf32> to vector<16x1xf32>
    %stack3A_543 = vector.shape_cast %reduce_max3A_234 : vector<16xf32> to vector<16x1xf32>
    %stack3A_544 = vector.shape_cast %reduce_max3A_239 : vector<16xf32> to vector<16x1xf32>
    %stack3A_545 = vector.shape_cast %reduce_max3A_244 : vector<16xf32> to vector<16x1xf32>
    %stack3A_546 = vector.shape_cast %reduce_max3A_249 : vector<16xf32> to vector<16x1xf32>
    %stack3A_547 = vector.shape_cast %reduce_max3A_254 : vector<16xf32> to vector<16x1xf32>
    %stack3A_548 = vector.shape_cast %reduce_max3A_259 : vector<16xf32> to vector<16x1xf32>
    %stack3A_549 = vector.shape_cast %reduce_max3A_264 : vector<16xf32> to vector<16x1xf32>
    %stack3A_550 = vector.shape_cast %reduce_max3A_269 : vector<16xf32> to vector<16x1xf32>
    %stack3A_551 = vector.shape_cast %reduce_max3A_274 : vector<16xf32> to vector<16x1xf32>
    %stack3A_552 = vector.shape_cast %reduce_max3A_279 : vector<16xf32> to vector<16x1xf32>
    %stack3A_553 = vector.shape_cast %reduce_max3A_284 : vector<16xf32> to vector<16x1xf32>
    %stack3A_554 = vector.shape_cast %reduce_max3A_289 : vector<16xf32> to vector<16x1xf32>
    %stack3A_555 = vector.shape_cast %reduce_max3A_294 : vector<16xf32> to vector<16x1xf32>
    %stack3A_556 = vector.shape_cast %reduce_max3A_299 : vector<16xf32> to vector<16x1xf32>
    %stack3A_557 = vector.shape_cast %reduce_max3A_304 : vector<16xf32> to vector<16x1xf32>
    %stack3A_558 = vector.shape_cast %reduce_max3A_309 : vector<16xf32> to vector<16x1xf32>
    %stack3A_559 = vector.shape_cast %reduce_max3A_314 : vector<16xf32> to vector<16x1xf32>
    %stack3A_560 = vector.shape_cast %reduce_max3A_319 : vector<16xf32> to vector<16x1xf32>
    %stack3A_561 = vector.shape_cast %reduce_max3A_324 : vector<16xf32> to vector<16x1xf32>
    %stack3A_562 = vector.shape_cast %reduce_max3A_329 : vector<16xf32> to vector<16x1xf32>
    %stack3A_563 = vector.shape_cast %reduce_max3A_334 : vector<16xf32> to vector<16x1xf32>
    %stack3A_564 = vector.shape_cast %reduce_max3A_339 : vector<16xf32> to vector<16x1xf32>
    %stack3A_565 = vector.shape_cast %reduce_max3A_344 : vector<16xf32> to vector<16x1xf32>
    %stack3A_566 = vector.shape_cast %reduce_max3A_349 : vector<16xf32> to vector<16x1xf32>
    %stack3A_567 = vector.shape_cast %reduce_max3A_354 : vector<16xf32> to vector<16x1xf32>
    %stack3A_568 = vector.shape_cast %reduce_max3A_359 : vector<16xf32> to vector<16x1xf32>
    %stack3A_569 = vector.shape_cast %reduce_max3A_364 : vector<16xf32> to vector<16x1xf32>
    %stack3A_570 = vector.shape_cast %reduce_max3A_369 : vector<16xf32> to vector<16x1xf32>
    %stack3A_571 = vector.shape_cast %reduce_max3A_374 : vector<16xf32> to vector<16x1xf32>
    %stack3A_572 = vector.shape_cast %reduce_max3A_379 : vector<16xf32> to vector<16x1xf32>
    %stack3A_573 = vector.shape_cast %reduce_max3A_384 : vector<16xf32> to vector<16x1xf32>
    %stack3A_574 = vector.shape_cast %reduce_max3A_389 : vector<16xf32> to vector<16x1xf32>
    %stack3A_575 = vector.shape_cast %reduce_max3A_394 : vector<16xf32> to vector<16x1xf32>
    %stack3A_576 = vector.shape_cast %reduce_max3A_399 : vector<16xf32> to vector<16x1xf32>
    %stack3A_577 = vector.shape_cast %reduce_max3A_404 : vector<16xf32> to vector<16x1xf32>
    %stack3A_578 = vector.shape_cast %reduce_max3A_409 : vector<16xf32> to vector<16x1xf32>
    %stack3A_579 = vector.shape_cast %reduce_max3A_414 : vector<16xf32> to vector<16x1xf32>
    %stack3A_580 = vector.shape_cast %reduce_max3A_419 : vector<16xf32> to vector<16x1xf32>
    %stack3A_581 = vector.shape_cast %reduce_max3A_424 : vector<16xf32> to vector<16x1xf32>
    %stack3A_582 = vector.shape_cast %reduce_max3A_429 : vector<16xf32> to vector<16x1xf32>
    %stack3A_583 = vector.shape_cast %reduce_max3A_434 : vector<16xf32> to vector<16x1xf32>
    %stack3A_584 = vector.shape_cast %reduce_max3A_439 : vector<16xf32> to vector<16x1xf32>
    %stack3A_585 = vector.shape_cast %reduce_max3A_444 : vector<16xf32> to vector<16x1xf32>
    %stack3A_586 = vector.shape_cast %reduce_max3A_449 : vector<16xf32> to vector<16x1xf32>
    %stack3A_587 = vector.shape_cast %reduce_max3A_454 : vector<16xf32> to vector<16x1xf32>
    %stack3A_588 = vector.shape_cast %reduce_max3A_459 : vector<16xf32> to vector<16x1xf32>
    %stack3A_589 = vector.shape_cast %reduce_max3A_464 : vector<16xf32> to vector<16x1xf32>
    %stack3A_590 = vector.shape_cast %reduce_max3A_469 : vector<16xf32> to vector<16x1xf32>
    %stack3A_591 = vector.shape_cast %reduce_max3A_474 : vector<16xf32> to vector<16x1xf32>
    %stack3A_592 = vector.shape_cast %reduce_max3A_479 : vector<16xf32> to vector<16x1xf32>
    %stack3A_593 = vector.shape_cast %reduce_max3A_484 : vector<16xf32> to vector<16x1xf32>
    %stack3A_594 = vector.shape_cast %reduce_max3A_489 : vector<16xf32> to vector<16x1xf32>
    %stack3A_595 = vector.shape_cast %reduce_max3A_494 : vector<16xf32> to vector<16x1xf32>
    %stack3A_596 = vector.shape_cast %reduce_max3A_499 : vector<16xf32> to vector<16x1xf32>
    %stack3A_597 = tpu.concatenate %stack3A, %stack3A_500, %stack3A_501, %stack3A_502, %stack3A_503, %stack3A_504, %stack3A_505, %stack3A_506, %stack3A_507, %stack3A_508, %stack3A_509, %stack3A_510, %stack3A_511, %stack3A_512, %stack3A_513, %stack3A_514, %stack3A_515, %stack3A_516, %stack3A_517, %stack3A_518, %stack3A_519, %stack3A_520, %stack3A_521, %stack3A_522, %stack3A_523, %stack3A_524, %stack3A_525, %stack3A_526, %stack3A_527, %stack3A_528, %stack3A_529, %stack3A_530, %stack3A_531, %stack3A_532, %stack3A_533, %stack3A_534, %stack3A_535, %stack3A_536, %stack3A_537, %stack3A_538, %stack3A_539, %stack3A_540, %stack3A_541, %stack3A_542, %stack3A_543, %stack3A_544, %stack3A_545, %stack3A_546, %stack3A_547, %stack3A_548, %stack3A_549, %stack3A_550, %stack3A_551, %stack3A_552, %stack3A_553, %stack3A_554, %stack3A_555, %stack3A_556, %stack3A_557, %stack3A_558, %stack3A_559, %stack3A_560, %stack3A_561, %stack3A_562, %stack3A_563, %stack3A_564, %stack3A_565, %stack3A_566, %stack3A_567, %stack3A_568, %stack3A_569, %stack3A_570, %stack3A_571, %stack3A_572, %stack3A_573, %stack3A_574, %stack3A_575, %stack3A_576, %stack3A_577, %stack3A_578, %stack3A_579, %stack3A_580, %stack3A_581, %stack3A_582, %stack3A_583, %stack3A_584, %stack3A_585, %stack3A_586, %stack3A_587, %stack3A_588, %stack3A_589, %stack3A_590, %stack3A_591, %stack3A_592, %stack3A_593, %stack3A_594, %stack3A_595, %stack3A_596 in 1 : vector<16x1xf32>, vector<16x1xf32>, vector<16x1xf32>, vector<16x1xf32>, vector<16x1xf32>, vector<16x1xf32>, vector<16x1xf32>, vector<16x1xf32>, vector<16x1xf32>, vector<16x1xf32>, vector<16x1xf32>, vector<16x1xf32>, vector<16x1xf32>, vector<16x1xf32>, vector<16x1xf32>, vector<16x1xf32>, vector<16x1xf32>, vector<16x1xf32>, vector<16x1xf32>, vector<16x1xf32>, vector<16x1xf32>, vector<16x1xf32>, vector<16x1xf32>, vector<16x1xf32>, vector<16x1xf32>, vector<16x1xf32>, vector<16x1xf32>, vector<16x1xf32>, vector<16x1xf32>, vector<16x1xf32>, vector<16x1xf32>, vector<16x1xf32>, vector<16x1xf32>, vector<16x1xf32>, vector<16x1xf32>, vector<16x1xf32>, vector<16x1xf32>, vector<16x1xf32>, vector<16x1xf32>, vector<16x1xf32>, vector<16x1xf32>, vector<16x1xf32>, vector<16x1xf32>, vector<16x1xf32>, vector<16x1xf32>, vector<16x1xf32>, vector<16x1xf32>, vector<16x1xf32>, vector<16x1xf32>, vector<16x1xf32>, vector<16x1xf32>, vector<16x1xf32>, vector<16x1xf32>, vector<16x1xf32>, vector<16x1xf32>, vector<16x1xf32>, vector<16x1xf32>, vector<16x1xf32>, vector<16x1xf32>, vector<16x1xf32>, vector<16x1xf32>, vector<16x1xf32>, vector<16x1xf32>, vector<16x1xf32>, vector<16x1xf32>, vector<16x1xf32>, vector<16x1xf32>, vector<16x1xf32>, vector<16x1xf32>, vector<16x1xf32>, vector<16x1xf32>, vector<16x1xf32>, vector<16x1xf32>, vector<16x1xf32>, vector<16x1xf32>, vector<16x1xf32>, vector<16x1xf32>, vector<16x1xf32>, vector<16x1xf32>, vector<16x1xf32>, vector<16x1xf32>, vector<16x1xf32>, vector<16x1xf32>, vector<16x1xf32>, vector<16x1xf32>, vector<16x1xf32>, vector<16x1xf32>, vector<16x1xf32>, vector<16x1xf32>, vector<16x1xf32>, vector<16x1xf32>, vector<16x1xf32>, vector<16x1xf32>, vector<16x1xf32>, vector<16x1xf32>, vector<16x1xf32>, vector<16x1xf32>, vector<16x1xf32> -> vector<16x98xf32>
    %reduce_max3A_598 = arith.constant dense<0xFF800000> : vector<16xf32>
    %reduce_max3A_599 = vector.multi_reduction <maximumf>, %stack3A_597, %reduce_max3A_598 [1] : vector<16x98xf32> to vector<16xf32>
    %broadcast_in_dim3A = vector.shape_cast %reduce_max3A_599 : vector<16xf32> to vector<16x1xf32>
    %broadcast_in_dim3A_600 = arith.constant 0.000000e+00 : f32
    %broadcast_in_dim3A_601 = vector.broadcast %broadcast_in_dim3A_600 : f32 to vector<16x1xf32>
    %get3A_602 = arith.constant 0 : index
    %get3A_603 = arith.constant 0 : index
    %get3A_604 = vector.load %arg1[%get3A_602, %get3A_603] : memref<16x26624xf32, #tpu.memory_space<vmem>>, vector<16x26624xf32>
    %sub3A = vector.broadcast %broadcast_in_dim3A : vector<16x1xf32> to vector<16x26624xf32>
    %sub3A_605 = arith.subf %get3A_604, %sub3A : vector<16x26624xf32>
    %exp3A = math.exp %sub3A_605 : vector<16x26624xf32>
    %reduce_sum3A = arith.constant dense<0.000000e+00> : vector<16xf32>
    %reduce_sum3A_606 = vector.multi_reduction <add>, %exp3A, %reduce_sum3A [1] : vector<16x26624xf32> to vector<16xf32>
    %broadcast_in_dim3A_607 = vector.shape_cast %reduce_sum3A_606 : vector<16xf32> to vector<16x1xf32>
    %add3A = arith.addf %broadcast_in_dim3A_601, %broadcast_in_dim3A_607 : vector<16x1xf32>
    %get3A_608 = arith.constant 0 : index
    %get3A_609 = arith.constant 0 : index
    %get3A_610 = vector.load %arg2[%get3A_608, %get3A_609] : memref<16x26624xf32, #tpu.memory_space<vmem>>, vector<16x26624xf32>
    %sub3A_611 = vector.broadcast %broadcast_in_dim3A : vector<16x1xf32> to vector<16x26624xf32>
    %sub3A_612 = arith.subf %get3A_610, %sub3A_611 : vector<16x26624xf32>
    %exp3A_613 = math.exp %sub3A_612 : vector<16x26624xf32>
    %reduce_sum3A_614 = arith.constant dense<0.000000e+00> : vector<16xf32>
    %reduce_sum3A_615 = vector.multi_reduction <add>, %exp3A_613, %reduce_sum3A_614 [1] : vector<16x26624xf32> to vector<16xf32>
    %broadcast_in_dim3A_616 = vector.shape_cast %reduce_sum3A_615 : vector<16xf32> to vector<16x1xf32>
    %add3A_617 = arith.addf %add3A, %broadcast_in_dim3A_616 : vector<16x1xf32>
    %get3A_618 = arith.constant 0 : index
    %get3A_619 = arith.constant 0 : index
    %get3A_620 = vector.load %arg3[%get3A_618, %get3A_619] : memref<16x26624xf32, #tpu.memory_space<vmem>>, vector<16x26624xf32>
    %sub3A_621 = vector.broadcast %broadcast_in_dim3A : vector<16x1xf32> to vector<16x26624xf32>
    %sub3A_622 = arith.subf %get3A_620, %sub3A_621 : vector<16x26624xf32>
    %exp3A_623 = math.exp %sub3A_622 : vector<16x26624xf32>
    %reduce_sum3A_624 = arith.constant dense<0.000000e+00> : vector<16xf32>
    %reduce_sum3A_625 = vector.multi_reduction <add>, %exp3A_623, %reduce_sum3A_624 [1] : vector<16x26624xf32> to vector<16xf32>
    %broadcast_in_dim3A_626 = vector.shape_cast %reduce_sum3A_625 : vector<16xf32> to vector<16x1xf32>
    %add3A_627 = arith.addf %add3A_617, %broadcast_in_dim3A_626 : vector<16x1xf32>
    %get3A_628 = arith.constant 0 : index
    %get3A_629 = arith.constant 0 : index
    %get3A_630 = vector.load %arg4[%get3A_628, %get3A_629] : memref<16x26624xf32, #tpu.memory_space<vmem>>, vector<16x20128xf32>
    %sub3A_631 = vector.broadcast %broadcast_in_dim3A : vector<16x1xf32> to vector<16x20128xf32>
    %sub3A_632 = arith.subf %get3A_630, %sub3A_631 : vector<16x20128xf32>
    %exp3A_633 = math.exp %sub3A_632 : vector<16x20128xf32>
    %reduce_sum3A_634 = arith.constant dense<0.000000e+00> : vector<16xf32>
    %reduce_sum3A_635 = vector.multi_reduction <add>, %exp3A_633, %reduce_sum3A_634 [1] : vector<16x20128xf32> to vector<16xf32>
    %broadcast_in_dim3A_636 = vector.shape_cast %reduce_sum3A_635 : vector<16xf32> to vector<16x1xf32>
    %add3A_637 = arith.addf %add3A_627, %broadcast_in_dim3A_636 : vector<16x1xf32>
    %log3A = math.log %add3A_637 : vector<16x1xf32>
    %sub3A_638 = vector.broadcast %broadcast_in_dim3A : vector<16x1xf32> to vector<16x98xf32>
    %sub3A_639 = arith.subf %stack3A_597, %sub3A_638 : vector<16x98xf32>
    %sub3A_640 = vector.broadcast %log3A : vector<16x1xf32> to vector<16x98xf32>
    %sub3A_641 = arith.subf %sub3A_639, %sub3A_640 : vector<16x98xf32>
    %add3A_642 = vector.broadcast %get3A_3 : vector<16x1xf32> to vector<16x98xf32>
    %add3A_643 = arith.addf %sub3A_641, %add3A_642 : vector<16x98xf32>
    %jit3A = arith.constant -1.000000e+20 : f32
    %broadcast_in_dim3A_644 = vector.shape_cast %eq3A_10 : vector<16x1xi1> to vector<16x1xi1>
    %broadcast_in_dim3A_645 = vector.broadcast %broadcast_in_dim3A_644 : vector<16x1xi1> to vector<16x98xi1>
    %broadcast_in_dim3A_646 = vector.broadcast %jit3A : f32 to vector<16x98xf32>
    %select_n3A = arith.select %broadcast_in_dim3A_645, %broadcast_in_dim3A_646, %add3A_643 : vector<16x98xi1>, vector<16x98xf32>
    %iota3A = tpu.iota {dimensions = array<i32: 1>} : vector<16x98xi32>
    %eq3A_647 = arith.constant 0 : i32
    %eq3A_648 = vector.broadcast %eq3A_647 : i32 to vector<16x98xi32>
    %eq3A_649 = arith.cmpi eq, %iota3A, %eq3A_648 : vector<16x98xi32>
    %and3A = vector.broadcast %eq3A_10 : vector<16x1xi1> to vector<16x98xi1>
    %and3A_650 = arith.andi %eq3A_649, %and3A : vector<16x98xi1>
    %broadcast_in_dim3A_651 = vector.shape_cast %get3A_3 : vector<16x1xf32> to vector<16x1xf32>
    %broadcast_in_dim3A_652 = vector.broadcast %broadcast_in_dim3A_651 : vector<16x1xf32> to vector<16x98xf32>
    %select_n3A_653 = arith.select %and3A_650, %broadcast_in_dim3A_652, %select_n3A : vector<16x98xi1>, vector<16x98xf32>
    %broadcast_in_dim3A_654 = arith.constant -3.000000e+38 : f32
    %broadcast_in_dim3A_655 = vector.broadcast %broadcast_in_dim3A_654 : f32 to vector<16x30xf32>
    %concatenate3A = tpu.concatenate %select_n3A_653, %broadcast_in_dim3A_655 in 1 : vector<16x98xf32>, vector<16x30xf32> -> vector<16x128xf32>
    %swap3A = arith.constant 0 : index
    %swap3A_656 = arith.constant 0 : index
    %swap3A_657 = arith.constant 0 : index
    %swap3A_658 = vector.load %arg7[%swap3A, %swap3A_656, %swap3A_657] : memref<1x16x128xf32, #tpu.memory_space<vmem>>, vector<1x16x128xf32>
    %swap3A_659 = vector.shape_cast %swap3A_658 : vector<1x16x128xf32> to vector<16x128xf32>
    %swap3A_660 = vector.shape_cast %concatenate3A : vector<16x128xf32> to vector<1x16x128xf32>
    tpu.vector_store %arg7[%swap3A, %swap3A_656, %swap3A_657], %swap3A_660 {strides = array<i32>} : memref<1x16x128xf32, #tpu.memory_space<vmem>>, vector<1x16x128xf32>,
    %convert_element_type3A = arith.extui %eq3A_10 : vector<16x1xi1> to vector<16x1xi32>
    %convert_element_type3A_661 = arith.sitofp %convert_element_type3A : vector<16x1xi32> to vector<16x1xf32>
    %broadcast_in_dim3A_662 = arith.constant 0.000000e+00 : f32
    %broadcast_in_dim3A_663 = vector.broadcast %broadcast_in_dim3A_662 : f32 to vector<16x4xf32>
    %concatenate3A_664 = tpu.concatenate %broadcast_in_dim3A, %log3A, %get3A_3, %convert_element_type3A_661, %broadcast_in_dim3A_663 in 1 : vector<16x1xf32>, vector<16x1xf32>, vector<16x1xf32>, vector<16x1xf32>, vector<16x4xf32> -> vector<16x8xf32>
    %transpose3A = tpu.transpose %concatenate3A_664, [1, 0] : vector<16x8xf32> -> vector<8x16xf32>
    %broadcast_in_dim3A_665 = arith.constant 0.000000e+00 : f32
    %broadcast_in_dim3A_666 = vector.broadcast %broadcast_in_dim3A_665 : f32 to vector<8x112xf32>
    %concatenate3A_667 = tpu.concatenate %transpose3A, %broadcast_in_dim3A_666 in 1 : vector<8x16xf32>, vector<8x112xf32> -> vector<8x128xf32>
    %swap3A_668 = arith.constant 0 : index
    %swap3A_669 = arith.constant 0 : index
    %swap3A_670 = arith.constant 0 : index
    %swap3A_671 = vector.load %arg8[%swap3A_668, %swap3A_669, %swap3A_670] : memref<1x8x128xf32, #tpu.memory_space<vmem>>, vector<1x8x128xf32>
    %swap3A_672 = vector.shape_cast %swap3A_671 : vector<1x8x128xf32> to vector<8x128xf32>
    %swap3A_673 = vector.shape_cast %concatenate3A_667 : vector<8x128xf32> to vector<1x8x128xf32>
    tpu.vector_store %arg8[%swap3A_668, %swap3A_669, %swap3A_670], %swap3A_673 {strides = array<i32>} : memref<1x8x128xf32, #tpu.memory_space<vmem>>, vector<1x8x128xf32>,
    return
  }
  func.func @transform_0(%arg0: i32) -> (i32, i32) {
    %c0_i32 = arith.constant 0 : i32
    %c0_i32_0 = arith.constant 0 : i32
    return %arg0, %c0_i32 : i32, i32
  }
  func.func @transform_1(%arg0: i32) -> (i32, i32) {
    %c1_i32 = arith.constant 1 : i32
    %c0_i32 = arith.constant 0 : i32
    return %arg0, %c1_i32 : i32, i32
  }
  func.func @transform_2(%arg0: i32) -> (i32, i32) {
    %c2_i32 = arith.constant 2 : i32
    %c0_i32 = arith.constant 0 : i32
    return %arg0, %c2_i32 : i32, i32
  }
  func.func @transform_3(%arg0: i32) -> (i32, i32) {
    %c3_i32 = arith.constant 3 : i32
    %c0_i32 = arith.constant 0 : i32
    return %arg0, %c3_i32 : i32, i32
  }
  func.func @transform_4(%arg0: i32) -> (i32, i32, i32) {
    %c0_i32 = arith.constant 0 : i32
    %c0_i32_0 = arith.constant 0 : i32
    %c0_i32_1 = arith.constant 0 : i32
    return %arg0, %c0_i32, %c0_i32_0 : i32, i32, i32
  }
  func.func @transform_5(%arg0: i32) -> (i32, i32, i32) {
    %c0_i32 = arith.constant 0 : i32
    %c0_i32_0 = arith.constant 0 : i32
    %c0_i32_1 = arith.constant 0 : i32
    return %arg0, %c0_i32, %c0_i32_0 : i32, i32, i32
  }
  func.func @transform_6(%arg0: i32) -> (i32, i32, i32) {
    %c0_i32 = arith.constant 0 : i32
    %c0_i32_0 = arith.constant 0 : i32
    %c0_i32_1 = arith.constant 0 : i32
    return %arg0, %c0_i32, %c0_i32_0 : i32, i32, i32
  }
  func.func @transform_7(%arg0: i32) -> (i32, i32, i32) {
    %c0_i32 = arith.constant 0 : i32
    %c0_i32_0 = arith.constant 0 : i32
    %c0_i32_1 = arith.constant 0 : i32
    return %arg0, %c0_i32, %c0_i32_0 : i32, i32, i32
  }
}

</mosaic_0001>

<sc_bundles>
// kernel: kernel.4.cloned.1.call-start
scs
__scs_entry_jumppad:
0x0: {  	(pc) =	sbr.rel $0x88, $3  }
0x1: {  	(tag) =	ssettag $0x0;
	lr =	simm.s32 $0x1  }
0x2: {  	[smem:$0x3F9E] =	sst lr;
	_ =	strace $0xD0000000  }
0x3: {  	_ = 	snop  }
0x4: {  	_ = 	snop  }
0x5: {  	_ = 	snop  }
0x6: {  	_ = 	snop  }
0x7: {  	_ = 	snop  }
__scs_overlays_trampoline_lowered:
0x8: {  	[smem:$0x3FAD] =	sst s0  }
0x9: {  	[smem:$0x3FAE] =	sst s1  }
0xa: {  	[smem:$0x3FAF] =	sst s2  }
0xb: {  	[smem:$0x3FB0] =	sst s3  }
0xc: {  	[smem:$0x3FB1] =	sst s4  }
0xd: {  	[smem:$0x3FB2] =	sst s5  }
0xe: {  	[smem:$0x3FB3] =	sst s6  }
0xf: {  	[smem:$0x3FB4] =	sst s7  }
0x10: {  	[smem:$0x3FB5] =	sst s8  }
0x11: {  	[smem:$0x3FB6] =	sst s9;
	s0 =	simm.s32 @!p0 $0x0  }
0x12: {  	s1 =	sld [smem:$0x3F9C];
	s0 =	simm.s32 @p0 $0x1  }
0x13: {  	[smem:$0x3FB7] =	sst s0;
	s0 =	simm.s32 @!p1 $0x0  }
0x14: {  	s2 =	sld [smem:$0x3F9B];
	s0 =	simm.s32 @p1 $0x1  }
0x15: {  	[smem:$0x3FB8] =	sst s0;
	s0 =	simm.s32 @!p2 $0x0  }
0x16: {  	s3 =	sld [smem:$0x3FDB];
	s0 =	simm.s32 @p2 $0x1  }
0x17: {  	s4 =	simm.s32 $0x1BF5;
	[smem:$0x3FBA] =	sst s0  }
0x18: {  	s0 =	sld [smem:$0x3F9D];
	_ =	swait.ge [sflag:s4], $0x0  }
0x19: {  	s7 =	sld [smem:$0x3F9E]  }
0x1a: {  	s8 =	sadd.s32 $0xFFFFE003, lr  }
0x1b: {  	s9 =	sadd.s32 $0xFFFFFEF7, lr;
	s5 =	simm.s32 $0xFFFFFFFF;
	p2 =	slt.u32 s8, $0xFFFFF086  }
0x1c: {  	p1 =	slt.u32 s9, $0xF7A;
	s5 =	simm.s32 @!p2 $0x0  }
0x1d: {  	s5 =	simm.s32 @p1 $0x1;
	p0 =	seq.s32 s7, s2  }
0x1e: {  	s7 =	smul.u32 @!p0 $0xF7A, s2;
	p2 =	seq.s32 @!p0 s5, $0x0  }
0x1f: {  	s9 =	smul.u32 $0xF7A, s1;
	s8 =	simm.s32 @!p0 $0x1BF5;
	p2 =	por !p2, p0  }
0x20: {  	[sflag:s8] =	ssyncset.s32 @!p0 $0xFFFFF086;
	s6 =	sadd.s32 @!p0 s3, s7;
	s7 =	simm.s32 @!p0 $0x108  }
0x21: {  	s3 =	sadd.s32 s3, s9;
	s6 =	sadd.s32 @!p0 $0x88, s6;
	s7 =	simm.s32 @p2 $0x1082  }
0x22: {  	[simem:s7], [sflag:s8] =	dma.local @!p0 [hbm:s6], $0xF7A  }
0x23: {  	s9 =	sor.u32 $0xD0000000, s2;
	s6 =	simm.s32 $0x108;
	_ =	swait.ge @!p0 [sflag:s8], $0x0  }
0x24: {  	s3 =	sadd.s32 $0x88, s3;
	s6 =	simm.s32 @!p1 $0x1082;
	[sflag:s4] =	ssyncset.s32 $0xFFFFF086  }
0x25: {  	[simem:s6], [sflag:s4] =	dma.local [hbm:s3], $0xF7A  }
0x26: {  	[smem:$0x3F9E] =	sst s1;
	(tag) =	ssettag s2;
	_ =	strace s9  }
0x27: {  	s1 =	sld [smem:$0x3FAE]  }
0x28: {  	s2 =	sld [smem:$0x3FAF]  }
0x29: {  	s4 =	sld [smem:$0x3FB1]  }
0x2a: {  	p0 =	seq.s32 s5, $0x0;
	s5 =	sld [smem:$0x3FB2]  }
0x2b: {  	s6 =	sld [smem:$0x3FB3]  }
0x2c: {  	s7 =	sld [smem:$0x3FB4]  }
0x2d: {  	s3 =	simm.s32 $0x108;
	s8 =	sld [smem:$0x3FB5]  }
0x2e: {  	s3 =	simm.s32 @!p0 $0x1082;
	s9 =	sld [smem:$0x3FB6]  }
0x2f: {  	lr =	sadd.s32 s0, s3;
	s0 =	sld [smem:$0x3FAD]  }
0x30: {  	s3 =	sld [smem:$0x3FB0]  }
0x31: {  	[smem:$0x3FB9] =	sst s10  }
0x32: {  	s10 =	sld [smem:$0x3FB7];
	_ =	sdelay $0x3  }
0x33: {  	p0 =	seq.s32 s10, $0x1;
	s10 =	sld [smem:$0x3FB9];
	_ =	sdelay $0x3  }
0x34: {  	[smem:$0x3FB9] =	sst s10  }
0x35: {  	s10 =	sld [smem:$0x3FB8];
	_ =	sdelay $0x3  }
0x36: {  	p1 =	seq.s32 s10, $0x1;
	s10 =	sld [smem:$0x3FB9];
	_ =	sdelay $0x3  }
0x37: {  	[smem:$0x3FB9] =	sst s10  }
0x38: {  	s10 =	sld [smem:$0x3FBA]  }
0x39: {  	_ = 	snop;
	(pc) =	sbr.ind lr, $3  }
0x3a: {  	_ = 	snop  }
0x3b: {  	_ = 	snop  }
0x3c: {  	p2 =	seq.s32 s10, $0x1;
	s10 =	sld [smem:$0x3FB9]  }
0x3d: {  	_ =	shalt  }
0x3e: {  	_ =	shalt  }
0x3f: {  	_ =	shalt  }
0x40: {  	_ =	shalt  }
0x41: {  	_ =	shalt  }
0x42: {  	_ =	shalt  }
0x43: {  	_ =	shalt  }
0x44: {  	_ =	shalt  }
0x45: {  	_ =	shalt  }
0x46: {  	_ =	shalt  }
0x47: {  	_ =	shalt  }
0x48: {  	_ =	shalt  }
0x49: {  	_ =	shalt  }
0x4a: {  	_ =	shalt  }
0x4b: {  	_ =	shalt  }
0x4c: {  	_ =	shalt  }
0x4d: {  	_ =	shalt  }
0x4e: {  	_ =	shalt  }
0x4f: {  	_ =	shalt  }
0x50: {  	_ =	shalt  }
0x51: {  	_ =	shalt  }
0x52: {  	_ =	shalt  }
0x53: {  	_ =	shalt  }
0x54: {  	_ =	shalt  }
0x55: {  	_ =	shalt  }
0x56: {  	_ =	shalt  }
0x57: {  	_ =	shalt  }
0x58: {  	_ =	shalt  }
0x59: {  	_ =	shalt  }
0x5a: {  	_ =	shalt  }
0x5b: {  	_ =	shalt  }
0x5c: {  	_ =	shalt  }
0x5d: {  	_ =	shalt  }
0x5e: {  	_ =	shalt  }
0x5f: {  	_ =	shalt  }
0x60: {  	_ =	shalt  }
0x61: {  	_ =	shalt  }
0x62: {  	_ =	shalt  }
0x63: {  	_ =	shalt  }
0x64: {  	_ =	shalt  }
0x65: {  	_ =	shalt  }
0x66: {  	_ =	shalt  }
0x67: {  	_ =	shalt  }
0x68: {  	_ =	shalt  }
0x69: {  	_ =	shalt  }
0x6a: {  	_ =	shalt  }
0x6b: {  	_ =	shalt  }
0x6c: {  	_ =	shalt  }
0x6d: {  	_ =	shalt  }
0x6e: {  	_ =	shalt  }
0x6f: {  	_ =	shalt  }
0x70: {  	_ =	shalt  }
0x71: {  	_ =	shalt  }
0x72: {  	_ =	shalt  }
0x73: {  	_ =	shalt  }
0x74: {  	_ =	shalt  }
0x75: {  	_ =	shalt  }
0x76: {  	_ =	shalt  }
0x77: {  	_ =	shalt  }
0x78: {  	_ =	shalt  }
0x79: {  	_ =	shalt  }
0x7a: {  	_ =	shalt  }
0x7b: {  	_ =	shalt  }
0x7c: {  	_ =	shalt  }
0x7d: {  	_ =	shalt  }
0x7e: {  	_ =	shalt  }
0x7f: {  	_ =	shalt  }
0x80: {  	_ =	shalt  }
0x81: {  	_ =	shalt  }
0x82: {  	_ =	shalt  }
0x83: {  	_ =	shalt  }
0x84: {  	_ =	shalt  }
0x85: {  	_ =	shalt  }
0x86: {  	_ =	shalt  }
0x87: {  	_ =	shalt  }
.Lfunc_end0:
.L_simem_size_0:
called_computation_lowered:
.L_overlay_start_0:
0x88: {  	s2 =	sld [smem:$0x3FD9]  }
0x89: {  	s3 =	sld [smem:$0x3FFE];
	_ =	sdelay $0x1  }
0x8a: {  	s1 =	srdreg.scid  }
0x8b: {  	s0 =	sand.u32 $0x1, s1  }
0x8c: {  	s16 =	sshll.u32 s0, $0xA;
	s2 =	sadd.s32 s3, s2  }
0x8d: {  	s2 =	sadd.s32 s2, s16  }
0x8e: {  	[smem:$0x3FC5] =	sst s2  }
0x8f: {  	_ = 	snop  }
0x90: {  	(tm) =	ssettm $0x1  }
0x91: {  	s17 =	sld [smem:$0x3FFB];
	_ =	sdelay $0x3  }
0x92: {  	_ =	strace s17  }
0x93: {  	s2 =	sld [smem:$0x3FFC];
	_ =	sdelay $0x3  }
0x94: {  	_ =	strace s2  }
0x95: {  	s2 =	sld [smem:$0x3FFD];
	_ =	sdelay $0x3  }
0x96: {  	_ =	strace s2  }
0x97: {  	_ =	strace $0x8FFFFFFF  }
0x98: {  	s18 =	sld [smem:$0x3FDB];
	_ =	sdelay $0x1  }
0x99: {  	s19 =	simm.s32 $_scs_section_size  }
0x9a: {  	s4 =	simm.s32 $_size__tile_overlayer_lowered;
	s5 =	simm.s32 $_tile_overlayer_lowered  }
0x9b: {  	s22 =	simm.s32 $0x1BFF;
	s21 =	sshll.u32 s5, $0x1;
	s2 =	sadd.s32 s19, s18  }
0x9c: {  	s6 =	simm.s32 $0x0;
	s20 =	sshll.u32 s4, $0x1;
	s4 =	sadd.s32 s21, s2  }
0x9d: {  	[timem:s6], [sflag:s22] =	dma.local [hbm:s4], s20  }
0x9e: {  	_ =	swait.ge [sflag:s22], s20  }
0x9f: {  	s3 =	ssub.s32 $0x0, s20;
	[sflag:s22] =	ssyncset.done $0x0  }
0xa0: {  	[sflag:s22] =	ssyncadd.s32 s3;
	_ =	sdelay $0x1  }
0xa1: {  	s23 =	simm.s32 $0x1B8B  }
0xa2: {  	_ =	swait.ge [sflag:s23], $0x1  }
0xa3: {  	[sflag:s23] =	ssyncset.done $0x0  }
0xa4: {  	s25 =	simm.s32 $0x1B8E;
	s24 =	sld [smem:$0x3FFE];
	[sflag:s23] =	ssyncadd.s32 $0xFFFFFFFF  }
0xa5: {  	s26 =	simm.s32 $execute0_lowered;
	[smem:$0x3FD2] =	sst s25  }
0xa6: {  	s4 =	sshll.u32 s26, $0x1;
	_ =	strace $0x80000046;
	[dreg:$0x1] =	wrdreg $0xFFFFFFFF  }
0xa7: {  	s28 =	simm.s32 $_size_execute0_lowered;
	s2 =	sadd.s32 s2, s4;
	[dreg:$0x0] =	wrdreg $0x0  }
0xa8: {  	s4 =	sshll.u32 s28, $0x1;
	[dreg:$0x2] =	wrdreg s2  }
0xa9: {  	[dreg:$0x3] =	wrdreg s4  }
0xaa: {  	[dreg:$0x4] =	wrdreg $0xC0  }
0xab: {  	_ =	task [dreg:s6], $0x5FFFF  }
0xac: {  	[dreg:$0x1] =	wrdreg $0xFFFFFFFF  }
0xad: {  	[dreg:$0x0] =	wrdreg $0x60  }
0xae: {  	[dreg:$0x2] =	wrdreg s24  }
0xaf: {  	[dreg:$0x3] =	wrdreg $0x9  }
0xb0: {  	_ =	task.clear_ibuf [dreg:s6], $0x4FFFF;
	_ =	strace $0x90000046  }
0xb1: {  	s29 =	simm.s32 $0x9;
	_ =	strace $0x80000048  }
0xb2: {  	_ =	swait.ge [sflag:s29], $0x1  }
0xb3: {  	[sflag:s29] =	ssyncadd.s32 $0xFFFFFFFF  }
0xb4: {  	_ =	strace $0x90000048  }
0xb5: {  	_ =	sfence  }
0xb6: {  	s30 =	sld [smem:$0x0];
	_ =	sdelay $0x2  }
0xb7: {  	s31 =	sshll.u32 s1, $0xD;
	s1 =	sshrl.u32 s1, $0x2  }
0xb8: {  	s3 =	sand.u32 $0x4000, s31;
	s1 =	sadd.s32 s1, s30  }
0xb9: {  	s0 =	sor.u32 s3, s0;
	s1 =	sshll.u32 s1, $0x11  }
0xba: {  	s0 =	sor.u32 s1, s0  }
0xbb: {  	s0 =	sadd.s32 $0x8F2B, s0  }
0xbc: {  	[sflag:s0] =	ssyncadd.remote.s32 $0x1  }
0xbd: {  	_ =	sfence.sel $0xFFFF  }
0xbe: {  	[dreg:$0x0] =	wrdreg $0xFFFFFFFF;
	(pc) =	sbr.abs _section_cstart, $3  }
0xbf: {  	[dreg:$0x1] =	wrdreg $0xFFFFFFFF  }
0xc0: {  	_ =	task.clear_ibuf [dreg:s6], $0x2FFFF;
	_ =	strace $0x9FFFFFFF  }
0xc1: {  	(tm) =	ssettm $0x7FFFFFFF  }
tec
execute0_lowered:
.L_overlay_start_1:
0x0: {  	(tag) =	ssettag $0x1  }
0x1: {  	s4 =	rddreg [dreg:$0x0];
	s1 =	srdreg.scid  }
0x2: {  	s0 =	rddreg [dreg:$0x1];
	s2 =	simm.s32 $0x0;
	s12 =	simm.s32 $0x800  }
0x3: {  	s13 =	simm.s32 $0x2C00;
	s14 =	simm.s32 $0x3000;
	s15 =	simm.s32 $0x3400  }
0x4: {  	s16 =	simm.s32 $0x0;
	s5 =	sand.u32 $0x1, s1;
	[smem:$0x7FF] =	sst s2  }
0x5: {  	s1 =	stileid.u32;
	s3 =	sshll.u32 s5, $0x4;
	_ =	strace $0x80000047  }
0x6: {  	s5 =	ssub.s32 $0x2, s5;
	s6 =	sor.u32 s1, s3;
	s3 =	sadd.s32 $0xE00, s4  }
.Ltmp0:
0x7: {  	s7 =	sshll.u32 s6, $0x8;
	s8 =	sshll.u32 s6, $0x7;
	(pc) =	sbr.rel .LBB2_1-.Ltmp0, $4  }
0x8: {  	s9 =	sshrl.u32 s5, $0x1;
	s7 =	sadd.s32 s7, s4;
	s10 =	sadd.s32 s8, s4  }
0x9: {  	s11 =	ssub.s32 s5, s9;
	s4 =	sadd.s32 $0x61CE00, s7;
	s5 =	sadd.s32 $0x61EE00, s10  }
0xa: {  	v0 =	vlaneseq.u32;
	s6 =	sshll.u32 s6, $0x4;
	s7 =	sadd.s32 $0x61FE00, s10;
	s8 =	sadd.s32 $0x620E00, s10  }
0xb: {  	v2 =	vimm.s32 $0x0;
	v1 =	vor.u32 $0x80000000, v0;
	s9 =	sadd.s32 $0x621E00, s10;
	s10 =	smax.u32 s11, $0x1;
	s11 =	simm.s32 $0x1  }
.LBB2_12:
0xc: {  	[tilespmem:$0x2C00] =	vst v4  }
0xd: {  	[tilespmem:$0x3000] =	vst v5  }
0xe: {  	[tilespmem:$0x3400] =	vst v3  }
0xf: {  	[hbm4b:s7+s2] =	stream.linear.scatter [tilespmem:s13], [sflag:$0x1], $0x400, $0x38;
	[tilespmem:$0x3800] =	vst v63  }
0x10: {  	_ =	swait.ge [sflag:s11], $0x400  }
0x11: {  	[sflag:s11] =	ssyncset.done $0x0  }
0x12: {  	[sflag:s11] =	ssyncadd.s32 $0xFFFFFC00  }
0x13: {  	[hbm4b:s8+s2] =	stream.linear.scatter [tilespmem:s14], [sflag:$0x1], $0x400, $0x38;
	[tilespmem:$0x3800] =	vst v63  }
0x14: {  	s16 =	sadd.s32 $0x1, s16;
	_ =	swait.ge [sflag:s11], $0x400  }
0x15: {  	p0 =	sne.s32 s16, s10;
	[sflag:s11] =	ssyncset.done $0x0  }
.Ltmp1:
0x16: {  	[sflag:s11] =	ssyncadd.s32 $0xFFFFFC00;
	(pc) =	sbr.rel @!p0 .LBB2_13-.Ltmp1, $4  }
0x17: {  	[hbm4b:s9+s2] =	stream.linear.scatter [tilespmem:s15], [sflag:$0x1], $0x400, $0x38;
	[tilespmem:$0x3800] =	vst v63  }
0x18: {  	_ =	swait.ge [sflag:s11], $0x400  }
0x19: {  	[sflag:s11] =	ssyncset.done $0x0  }
0x1a: {  	[sflag:s11] =	ssyncadd.s32 $0xFFFFFC00  }
.LBB2_1:
0x1b: {  	[tilespmem:s2], [sflag:$0x1] =	stream.linear.gather [hbm4b:s4+s2], $0x800, $0x38;
	[tilespmem:$0x3800] =	vst v63  }
0x1c: {  	_ =	swait.ge [sflag:s11], $0x800  }
0x1d: {  	[sflag:s11] =	ssyncset.done $0x0  }
0x1e: {  	[sflag:s11] =	ssyncadd.s32 $0xFFFFF800  }
0x1f: {  	[tilespmem:s12], [sflag:$0x1] =	stream.linear.gather [hbm4b:s5+s2], $0x400, $0x38;
	[tilespmem:$0x3800] =	vst v63  }
0x20: {  	_ =	swait.ge [sflag:s11], $0x400  }
0x21: {  	[sflag:s11] =	ssyncset.done $0x0  }
0x22: {  	s17 =	sand.u32 $0x7F0, s2;
	[sflag:s11] =	ssyncadd.s32 $0xFFFFFC00  }
0x23: {  	v3 =	vld [tilespmem:s17+$0x0];
	_ =	sdelay $0x4  }
0x24: {  	(xrf0) =	vmax.scan.msk.f32 $0xffff, v3;
	_ =	sdelay $0x5  }
0x25: {  	v3, _, _ =	vpop (xrf0)  }
0x26: {  	s28 =	simm.s32 $0x10;
	(v2sf) =	vpush v3, $0xF  }
0x27: {  	s18 =	simm.s32 $0x20;
	s17 =	sand.u32 $0x7F0, s28  }
0x28: {  	s29 =	sand.u32 $0x7F0, s18;
	v3 =	vld [tilespmem:s17+$0x0]  }
0x29: {  	v4 =	vld [tilespmem:s29+$0x0];
	_ =	sdelay $0x3  }
0x2a: {  	(xrf0) =	vmax.scan.msk.f32 $0xffff, v3  }
0x2b: {  	(xrf0) =	vmax.scan.msk.f32 $0xffff, v4;
	_ =	sdelay $0x3  }
0x2c: {  	s30 =	simm.s32 $0x30  }
0x2d: {  	s17 =	sand.u32 $0x7F0, s30;
	v4, _, _ =	vpop (xrf0)  }
0x2e: {  	v3 =	vld [tilespmem:s17+$0x0];
	(v2sf) =	vpush v4, $0xF;
	v4, _, _ =	vpop (xrf0)  }
0x2f: {  	s19 =	spop (v2sf);
	(v2sf) =	vpush v4, $0xF;
	_ =	sdelay $0x2  }
0x30: {  	s31 =	simm.s32 $0x40  }
0x31: {  	s17 =	sand.u32 $0x7F0, s31;
	(xrf0) =	vmax.scan.msk.f32 $0xffff, v3  }
0x32: {  	v3 =	vld [tilespmem:s17+$0x0];
	_ =	sdelay $0x3  }
0x33: {  	s18 =	simm.s32 $0x50;
	s17 =	simm.s32 $0x0;
	[smem:s2] =	sst s19  }
.LBB2_2:
0x34: {  	s19 =	sand.u32 $0x7F0, s18;
	p0 =	sne.s32 s18, $0x7F0;
	s18 =	sadd.s32 $0x10, s18;
	(xrf0) =	vmax.scan.msk.f32 $0xffff, v3;
	v4, _, _ =	vpop (xrf0)  }
.Ltmp2:
0x35: {  	v3 =	vld [tilespmem:s19+$0x0];
	(v2sf) =	vpush v4, $0xF;
	(pc) =	sbr.rel @p0 .LBB2_2-.Ltmp2, $3  }
0x36: {  	_ =	sdelay $0x1  }
0x37: {  	s17 =	sadd.s32 $0x1, s17;
	s19 =	spop (v2sf)  }
0x38: {  	[smem:s17] =	sst s19  }
0x39: {  	(xrf0) =	vmax.scan.msk.f32 $0xffff, v3;
	_ =	sdelay $0x4  }
0x3a: {  	v3, _, _ =	vpop (xrf0)  }
0x3b: {  	(v2sf) =	vpush v3, $0xF;
	v3, _, _ =	vpop (xrf0)  }
0x3c: {  	(v2sf) =	vpush v3, $0xF;
	_ =	sdelay $0xb  }
.Ltmp3:
0x3d: {  	s18 =	spop (v2sf);
	s17 =	sadd.s32 $0x1, s17;
	(pc) =	sbr.rel .LBB2_4-.Ltmp3, $4  }
0x3e: {  	[smem:s17] =	sst s18;
	s17 =	sadd.s32 $0x1, s17;
	s29 =	spop (v2sf)  }
0x3f: {  	[smem:s17] =	sst s29;
	s17 =	sadd.s32 $0x1, s17;
	s30 =	spop (v2sf)  }
0x40: {  	[smem:s17] =	sst s30;
	s17 =	sadd.s32 $0x1, s17;
	s31 =	spop (v2sf)  }
0x41: {  	v4 =	vimm.f32 $0.0e+00;
	v5 =	vimm.s32 $0x0;
	v3 =	vimm.s32 $0x0;
	[smem:s17] =	sst s31;
	s17 =	simm.s32 $0x0  }
.LBB2_7:
0x42: {  	s23 =	simm.f32 $-1.000000020e+20;
	s22 =	simm.s32 $0x2  }
.LBB2_11:
0x43: {  	v8 =	vld [tilespmem:s20+$0x0];
	_ =	sdelay $0x2  }
0x44: {  	v9 =	vmov s21  }
0x45: {  	vm0 =	veq.s32 v9, v0  }
0x46: {  	v8 =	vsel vm0, s23, v8  }
0x47: {  	(xrf0) =	vmax.scan.msk.f32 $0xffff, v8;
	_ =	sdelay $0x5  }
0x48: {  	v62, _, _ =	vpop (xrf0)  }
0x49: {  	(v2sf) =	vpush v62, $0xF;
	_ =	sdelay $0x9  }
0x4a: {  	v63 =	vmov s17;
	s17 =	sadd.s32 $0x1, s17  }
0x4b: {  	p0 =	sne.s32 s17, $0x10  }
.Ltmp4:
0x4c: {  	_ = 	snop;
	(pc) =	sbr.rel @!p0 .LBB2_12-.Ltmp4, $3  }
0x4d: {  	_ =	sdelay $0x1  }
0x4e: {  	vm15 =	veq.s32 v63, v0;
	s19 =	spop (v2sf)  }
0x4f: {  	v4 =	vsel vm15, v7, v4;
	v5 =	vsel vm15, v6, v5;
	v3 =	vsel vm15, s22, v3;
	[tilespmem:s20+$0x0] =	vst v8;
	[smem:s18] =	sst s19  }
.LBB2_4:
0x50: {  	s18 =	sld [smem:$0x0];
	_ =	sdelay $0x1  }
0x51: {  	s19 =	simm.f32 $-3.000000010e+38  }
0x52: {  	s20 =	sld [smem:$0x1];
	p1 =	sgt.f32 s18, s19  }
0x53: {  	_ = 	snop  }
0x54: {  	s19 =	smov.u32 @p1 s18  }
0x55: {  	s18 =	sld [smem:$0x2];
	p3 =	sgt.f32 s20, s19  }
0x56: {  	_ = 	snop  }
0x57: {  	s19 =	smov.u32 @p3 s20  }
0x58: {  	s20 =	sld [smem:$0x3];
	p0 =	sgt.f32 s18, s19  }
0x59: {  	_ = 	snop  }
0x5a: {  	s19 =	smov.u32 @p0 s18  }
0x5b: {  	s21 =	sld [smem:$0x4];
	p2 =	sgt.f32 s20, s19  }
0x5c: {  	_ = 	snop  }
0x5d: {  	s19 =	smov.u32 @p2 s20  }
0x5e: {  	s18 =	simm.s32 $0x0;
	s20 =	sld [smem:$0x5];
	p4 =	sgt.f32 s21, s19  }
0x5f: {  	s22 =	simm.s32 $0x1;
	s18 =	smov.u32 @p1 s18  }
0x60: {  	s23 =	simm.s32 $0x10;
	s18 =	smov.u32 @p3 s22;
	s19 =	smov.u32 @p4 s21  }
0x61: {  	s22 =	sld [smem:$0x6];
	s21 =	simm.s32 $0x2;
	p1 =	sgt.f32 s20, s19  }
0x62: {  	s24 =	sld [smem:$0x7];
	s18 =	smov.u32 @p0 s21;
	s21 =	simm.s32 $0x3  }
0x63: {  	s18 =	smov.u32 @p2 s21;
	s21 =	simm.s32 $0x4;
	s19 =	smov.u32 @p1 s20  }
0x64: {  	s18 =	smov.u32 @p4 s21;
	s20 =	simm.s32 $0x5;
	p0 =	sgt.f32 s22, s19  }
0x65: {  	s25 =	sld [smem:$0x8];
	s21 =	simm.s32 $0x6;
	s18 =	smov.u32 @p1 s20  }
0x66: {  	s20 =	simm.s32 $0x8;
	s19 =	smov.u32 @p0 s22;
	s18 =	smov.u32 @p0 s21  }
0x67: {  	s21 =	simm.s32 $0xC;
	s22 =	simm.s32 $0x0;
	p1 =	sgt.f32 s24, s19  }
.LBB2_5:
0x68: {  	p0 =	slt.u32 s23, $0x78;
	s26 =	sadd.s32 $0x7, s22;
	s22 =	smov.u32 s20  }
0x69: {  	s20 =	smov.u32 s23;
	s19 =	smov.u32 @p1 s24;
	s18 =	smov.u32 @p1 s26  }
0x6a: {  	p1 =	sgt.f32 s25, s19;
	s24 =	sld [smem:s21+$0xFFFFFFFD]  }
0x6b: {  	_ = 	snop  }
0x6c: {  	s19 =	smov.u32 @p1 s25;
	s18 =	smov.u32 @p1 s22  }
0x6d: {  	p1 =	sgt.f32 s24, s19;
	s25 =	sld [smem:s21+$0xFFFFFFFE]  }
0x6e: {  	s26 =	sadd.s32 $0x1, s22  }
0x6f: {  	s19 =	smov.u32 @p1 s24;
	s18 =	smov.u32 @p1 s26  }
0x70: {  	p1 =	sgt.f32 s25, s19;
	s24 =	sld [smem:s21+$0xFFFFFFFF]  }
0x71: {  	s26 =	sadd.s32 $0x2, s22  }
0x72: {  	s19 =	smov.u32 @p1 s25;
	s18 =	smov.u32 @p1 s26  }
0x73: {  	p1 =	sgt.f32 s24, s19;
	s25 =	sld [smem:s21+$0x0]  }
0x74: {  	s26 =	sadd.s32 $0x3, s22  }
0x75: {  	s19 =	smov.u32 @p1 s24;
	s18 =	smov.u32 @p1 s26  }
0x76: {  	p1 =	sgt.f32 s25, s19;
	s24 =	sld [smem:s21+$0x1]  }
0x77: {  	s26 =	sadd.s32 $0x4, s22  }
0x78: {  	s19 =	smov.u32 @p1 s25;
	s18 =	smov.u32 @p1 s26  }
0x79: {  	p1 =	sgt.f32 s24, s19;
	s25 =	sld [smem:s21+$0x2]  }
0x7a: {  	s26 =	sadd.s32 $0x5, s22  }
.Ltmp5:
0x7b: {  	s19 =	smov.u32 @p1 s24;
	s18 =	smov.u32 @p1 s26;
	(pc) =	sbr.rel @p0 .LBB2_5-.Ltmp5, $4  }
0x7c: {  	p1 =	sgt.f32 s25, s19;
	s24 =	sld [smem:s21+$0x3]  }
0x7d: {  	s26 =	sadd.s32 $0x6, s22  }
0x7e: {  	s21 =	sadd.s32 $0x8, s21;
	s19 =	smov.u32 @p1 s25;
	s18 =	smov.u32 @p1 s26  }
0x7f: {  	s23 =	sadd.s32 $0x8, s23;
	s25 =	sld [smem:s21+$0xFFFFFFFC];
	p1 =	sgt.f32 s24, s19  }
0x80: {  	_ = 	snop  }
0x81: {  	s19 =	smov.u32 @p1 s24  }
0x82: {  	s23 =	sld [smem:s21+$0xFFFFFFFD];
	p5 =	sgt.f32 s25, s19  }
0x83: {  	_ = 	snop  }
0x84: {  	s19 =	smov.u32 @p5 s25  }
0x85: {  	s24 =	sld [smem:s21+$0xFFFFFFFE];
	p2 =	sgt.f32 s23, s19  }
0x86: {  	_ = 	snop  }
0x87: {  	s19 =	smov.u32 @p2 s23  }
0x88: {  	s23 =	sld [smem:s21+$0xFFFFFFFF];
	p3 =	sgt.f32 s24, s19  }
0x89: {  	_ = 	snop  }
0x8a: {  	s19 =	smov.u32 @p3 s24  }
0x8b: {  	s24 =	sld [smem:s21+$0x0];
	p0 =	sgt.f32 s23, s19  }
0x8c: {  	_ = 	snop  }
0x8d: {  	s19 =	smov.u32 @p0 s23  }
0x8e: {  	s23 =	sld [smem:s21+$0x1];
	p4 =	sgt.f32 s24, s19  }
0x8f: {  	s22 =	sadd.s32 $0x7, s22  }
0x90: {  	s18 =	smov.u32 @p1 s22;
	s22 =	sadd.s32 $0x1, s20;
	s19 =	smov.u32 @p4 s24  }
0x91: {  	s18 =	smov.u32 @p5 s20;
	s24 =	sld [smem:s21+$0x2];
	p1 =	sgt.f32 s23, s19  }
0x92: {  	s18 =	smov.u32 @p2 s22;
	s22 =	sadd.s32 $0x2, s20  }
0x93: {  	s18 =	smov.u32 @p3 s22;
	s19 =	smov.u32 @p1 s23  }
0x94: {  	s22 =	sadd.s32 $0x3, s20;
	s21 =	sld [smem:s21+$0x3];
	p2 =	sgt.f32 s24, s19  }
0x95: {  	s18 =	smov.u32 @p0 s22;
	s22 =	sadd.s32 $0x4, s20  }
0x96: {  	s18 =	smov.u32 @p4 s22;
	s22 =	sadd.s32 $0x5, s20;
	s19 =	smov.u32 @p2 s24  }
0x97: {  	s18 =	smov.u32 @p1 s22;
	s22 =	sadd.s32 $0x6, s20;
	p0 =	sgt.f32 s21, s19  }
0x98: {  	v7 =	vld [tilespmem:$0x800];
	s20 =	sadd.s32 $0x7, s20;
	s18 =	smov.u32 @p2 s22  }
0x99: {  	v8 =	vld [tilespmem:$0x880];
	s18 =	smov.u32 @p0 s20  }
0x9a: {  	v9 =	vld [tilespmem:$0x900];
	s22 =	sshra.s32 s18, $0x3  }
0x9b: {  	s20 =	sshll.u32 s18, $0x4;
	s29 =	sshll.u32 s22, $0x9;
	v6 =	vmov s22  }
0x9c: {  	v10 =	vld [tilespmem:$0x980];
	s24 =	sand.u32 $0x70, s20;
	s30 =	sshra.s32 s29, $0x2;
	vm0 =	veq.s32 v6, v0  }
0x9d: {  	s20 =	sor.u32 s24, s30;
	v7 =	vnsel vm0, $0x0, v7  }
0x9e: {  	v11 =	vld [tilespmem:s20+$0x0];
	(xrf2) =	vadd.scan.msk.f32 $0xffff, v7;
	v7 =	vnsel vm0, $0x0, v8  }
0x9f: {  	(xrf2) =	vadd.scan.msk.f32 $0xffff, v7;
	v7 =	vnsel vm0, $0x0, v9  }
0xa0: {  	(xrf2) =	vadd.scan.msk.f32 $0xffff, v7  }
0xa1: {  	v7 =	vnsel vm0, $0x0, v10  }
0xa2: {  	s19 =	smov.u32 @p0 s21;
	(xrf2) =	vadd.scan.msk.f32 $0xffff, v7  }
0xa3: {  	vm15 =	veq.f32 v11, s19  }
0xa4: {  	v7 =	vnsel vm15, $0xC0000000, v1  }
0xa5: {  	(xrf0) =	vmin.scan.msk.u32 $0xffff, v7;
	_ =	sdelay $0x2  }
0xa6: {  	v11, _, _ =	vpop (xrf2)  }
0xa7: {  	v9, _, _ =	vpop (xrf2)  }
0xa8: {  	v10, _, _ =	vpop (xrf2)  }
0xa9: {  	v7, _, _ =	vpop (xrf0)  }
0xaa: {  	(v2sf) =	vpush v7, $0xF;
	v7, _, _ =	vpop (xrf2)  }
0xab: {  	(v2sf) =	vpush v7, $0xF;
	_ =	sdelay $0xd  }
0xac: {  	s23 =	spop (v2sf)  }
0xad: {  	s31 =	spop (v2sf)  }
0xae: {  	p0 =	sgt.f32 s31, $5.000000000e-01  }
.Ltmp6:
0xaf: {  	_ = 	snop;
	(pc) =	sbr.rel @p0 .LBB2_7-.Ltmp6, $2  }
0xb0: {  	_ =	sdelay $0x2  }
0xb1: {  	v7 =	vmov s19;
	s21 =	sxor.u32 $0x80000000, s23  }
0xb2: {  	s25 =	sadd.s32 s6, s22  }
0xb3: {  	s24 =	sadd.s32 s24, s21;
	s25 =	sshrl.u32 s25, $0x3  }
0xb4: {  	p0 =	sne.s32 s24, $0x61;
	s25 =	smul.u32 $0xC3800, s25  }
0xb5: {  	s24 =	sshll.u32 @p0 s24, $0xD  }
0xb6: {  	s24 =	sadd.s32 @p0 s25, s24  }
0xb7: {  	s24 =	sshrl.u32 @p0 s24, $0x3  }
0xb8: {  	s26 =	simm.s32 @p0 $0x0;
	s28 =	simm.s32 @p0 $0xC00;
	s24 =	sadd.s32 @p0 s3, s24  }
0xb9: {  	[tilespmem:s28], [sflag:$0x1] =	stream.linear.gather @p0 [hbm4b:s24+s26], $0x2000, $0x38;
	[tilespmem:$0x3800] =	vst v63  }
0xba: {  	s24 =	simm.s32 @p0 $0x1  }
0xbb: {  	_ =	swait.ge @p0 [sflag:s24], $0x2000  }
0xbc: {  	s30 =	sshll.u32 s22, $0x7;
	s25 =	sshrl.u32 @!p0 s25, $0x3;
	[sflag:s24] =	ssyncset.done @p0 $0x0  }
0xbd: {  	s22 =	sand.u32 $0x380, s30;
	[sflag:s24] =	ssyncadd.s32 @p0 $0xFFFFE000;
	s24 =	sadd.s32 @!p0 s3, s25  }
0xbe: {  	s26 =	simm.s32 @!p0 $0xC00;
	s25 =	simm.s32 @!p0 $0x0;
	s24 =	sadd.s32 @!p0 $0x18400, s24  }
0xbf: {  	[tilespmem:s26], [sflag:$0x1] =	stream.linear.gather @!p0 [hbm4b:s24+s25], $0x1800, $0x38;
	[tilespmem:$0x3800] =	vst v63  }
0xc0: {  	v8 =	vmov s22;
	s24 =	simm.s32 @!p0 $0x1  }
0xc1: {  	s31 =	simm.s32 $0x0;
	s29 =	simm.s32 $0x20;
	_ =	swait.ge @!p0 [sflag:s24], $0x1800  }
0xc2: {  	s28 =	simm.s32 $0x30;
	s26 =	sand.u32 $0x1C00, s31;
	[sflag:s24] =	ssyncset.done @!p0 $0x0  }
0xc3: {  	s25 =	sand.u32 $0x70, s28;
	[sflag:s24] =	ssyncadd.s32 @!p0 $0xFFFFE800;
	s24 =	sadd.s32 $0xC00, s26  }
0xc4: {  	s30 =	simm.s32 $0x10;
	s26 =	sand.u32 $0x60, s29;
	s25 =	sor.u32 s25, s24  }
0xc5: {  	s28 =	sand.u32 $0x50, s30;
	s26 =	sor.u32 s26, s24;
	v15 =	vld.idx.msk [tilespmem:v8+s25+$0x0 ss:$0x1], $0xffff  }
0xc6: {  	s22 =	sand.u32 $0x40, s31;
	s31 =	sor.u32 s28, s24;
	v16 =	vld.idx.msk [tilespmem:v8+s26+$0x0 ss:$0x1], $0xffff  }
0xc7: {  	s22 =	sor.u32 s22, s24;
	v18 =	vld.idx.msk [tilespmem:v8+s31+$0x0 ss:$0x1], $0xffff  }
0xc8: {  	s26 =	sand.u32 $0x7, s18;
	v19 =	vld.idx.msk [tilespmem:v8+s22+$0x0 ss:$0x1], $0xffff  }
0xc9: {  	v11 =	vbroadcast v11, $0xF;
	s28 =	sshll.u32 s23, $0xA;
	s29 =	sshll.u32 s26, $0xE  }
0xca: {  	v12 =	vbroadcast v9, $0xF;
	v13 =	vbroadcast v10, $0xF;
	s22 =	sadd.s32 s29, s28  }
0xcb: {  	v14 =	vimm.s32 $0x40000000;
	v9 =	vimm.f32 $-3.000000010e+38;
	v10 =	vimm.s32 $0x0;
	s23 =	sadd.s32 $0x0, s22  }
0xcc: {  	v17 =	vor.u32 s23, v0;
	s30 =	sadd.s32 $0x30, s23;
	v20 =	vsub.f32 v16, v11;
	v21 =	vsub.f32 v15, v11  }
0xcd: {  	s31 =	sadd.s32 $0x20, s23;
	v19 =	vsub.f32 v19, v11;
	v22 =	vsub.f32 v18, v11;
	v16 =	vor.u32 s30, v0  }
0xce: {  	s23 =	sadd.s32 $0x10, s23;
	v15 =	vor.u32 s31, v0;
	v20 =	vsub.f32 v20, v12;
	v21 =	vsub.f32 v21, v12  }
0xcf: {  	v18 =	vor.u32 s23, v0;
	v19 =	vsub.f32 v19, v12;
	v22 =	vsub.f32 v22, v12  }
0xd0: {  	vm0 =	vlt.s32 v17, $0x186A0;
	v23 =	vadd.f32 v20, v13;
	v20 =	vadd.f32 v21, v13  }
0xd1: {  	vm1 =	vlt.s32 v16, $0x186A0;
	v19 =	vadd.f32 v19, v13;
	v22 =	vadd.f32 v22, v13  }
0xd2: {  	vm2 =	vlt.s32 v18, $0x186A0;
	vm3 =	vlt.s32 v15, $0x186A0;
	v21 =	vnsel vm1, $0xFF61B1E6, v20  }
0xd3: {  	v19 =	vnsel vm0, $0xFF61B1E6, v19;
	v20 =	vnsel vm2, $0xFF61B1E6, v22;
	v22 =	vnsel vm3, $0xFF61B1E6, v23  }
0xd4: {  	s24 =	simm.s32 $0x200;
	s25 =	simm.s32 $0x40;
	s23 =	simm.s32 $0x0;
	vm2 =	vlt.f32 v22, v7;
	vm1 =	veq.f32 v21, v7;
	vm0 =	vlt.f32 v21, v7  }
.LBB2_9:
0xd5: {  	s26 =	sand.u32 $0x1C00, s24;
	s28 =	sadd.s32 $0x30, s25;
	vm3 =	vlt.f32 v19, v7;
	vm5 =	vlt.f32 v20, v7;
	vm4 =	veq.f32 v22, v7  }
0xd6: {  	s29 =	sadd.s32 $0x20, s25;
	vm6 =	veq.f32 v19, v7;
	vm7 =	veq.f32 v20, v7;
	v23 =	vsel vm1, $0x1, v2;
	s26 =	sadd.s32 $0xC00, s26;
	s28 =	sand.u32 $0x70, s28  }
0xd7: {  	s30 =	sadd.s32 $0x10, s25;
	v21 =	vnsel vm0, $0xFF61B1E6, v21;
	s29 =	sand.u32 $0x60, s29;
	v17 =	vnsel vm6, $0x40000000, v17;
	v24 =	vsel vm4, $0x1, v2;
	s28 =	sor.u32 s28, s26  }
0xd8: {  	v22 =	vnsel vm2, $0xFF61B1E6, v22;
	v16 =	vnsel vm1, $0x40000000, v16;
	s30 =	sand.u32 $0x50, s30;
	s29 =	sor.u32 s29, s26;
	vm0 =	vlt.s32 v14, v17;
	v25 =	vld.idx.msk [tilespmem:v8+s28+$0x0 ss:$0x1], $0xffff  }
0xd9: {  	s30 =	sor.u32 s30, s26;
	s28 =	sand.u32 $0x40, s25;
	v14 =	vsel vm0, v14, v17;
	v17 =	vnsel vm7, $0x40000000, v18;
	v18 =	vsel vm7, $0x1, v2;
	v26 =	vld.idx.msk [tilespmem:v8+s29+$0x0 ss:$0x1], $0xffff  }
0xda: {  	s23 =	sadd.s32 $0x4, s23;
	v28 =	vsel vm6, $0x1, v2;
	v20 =	vnsel vm5, $0xFF61B1E6, v20;
	s26 =	sor.u32 s28, s26;
	vm0 =	vlt.s32 v14, v17;
	v27 =	vld.idx.msk [tilespmem:v8+s30+$0x0 ss:$0x1], $0xffff  }
0xdb: {  	p0 =	slt.u32 s23, $0x3C;
	v19 =	vnsel vm3, $0xFF61B1E6, v19;
	v15 =	vnsel vm4, $0x40000000, v15;
	v14 =	vsel vm0, v14, v17;
	v29 =	vld.idx.msk [tilespmem:v8+s26+$0x0 ss:$0x1], $0xffff  }
0xdc: {  	v10 =	vadd.s32 v28, v10;
	v9 =	vmax.f32 v9, v19;
	vm0 =	vlt.s32 v14, v15  }
0xdd: {  	v9 =	vmax.f32 v9, v20;
	v10 =	vadd.s32 v18, v10;
	v14 =	vsel vm0, v14, v15  }
0xde: {  	v9 =	vmax.f32 v9, v22;
	v10 =	vadd.s32 v24, v10;
	vm0 =	vlt.s32 v14, v16  }
0xdf: {  	v9 =	vmax.f32 v9, v21;
	s26 =	sadd.s32 s25, s22;
	v10 =	vadd.s32 v23, v10;
	v14 =	vsel vm0, v14, v16  }
0xe0: {  	v17 =	vor.u32 s26, v0;
	s28 =	sadd.s32 $0x30, s26;
	v19 =	vsub.f32 v25, v11;
	v18 =	vsub.f32 v26, v11  }
0xe1: {  	s29 =	sadd.s32 $0x20, s26;
	v16 =	vor.u32 s28, v0;
	v21 =	vsub.f32 v27, v11;
	v20 =	vsub.f32 v29, v11  }
0xe2: {  	s26 =	sadd.s32 $0x10, s26;
	v15 =	vor.u32 s29, v0;
	v19 =	vsub.f32 v19, v12;
	v22 =	vsub.f32 v18, v12  }
0xe3: {  	v18 =	vor.u32 s26, v0;
	v21 =	vsub.f32 v21, v12;
	v20 =	vsub.f32 v20, v12  }
.Ltmp7:
0xe4: {  	vm0 =	vlt.s32 v17, $0x186A0;
	v19 =	vadd.f32 v19, v13;
	v22 =	vadd.f32 v22, v13;
	(pc) =	sbr.rel @p0 .LBB2_9-.Ltmp7, $4  }
0xe5: {  	vm1 =	vlt.s32 v16, $0x186A0;
	v23 =	vadd.f32 v21, v13;
	v20 =	vadd.f32 v20, v13  }
0xe6: {  	vm3 =	vlt.s32 v15, $0x186A0;
	vm2 =	vlt.s32 v18, $0x186A0;
	v21 =	vnsel vm1, $0xFF61B1E6, v19  }
0xe7: {  	v22 =	vnsel vm3, $0xFF61B1E6, v22;
	v19 =	vnsel vm0, $0xFF61B1E6, v20;
	v20 =	vnsel vm2, $0xFF61B1E6, v23  }
0xe8: {  	s24 =	sadd.s32 $0x200, s24;
	s25 =	sadd.s32 $0x40, s25;
	vm1 =	veq.f32 v21, v7;
	vm2 =	vlt.f32 v22, v7;
	vm0 =	vlt.f32 v21, v7  }
0xe9: {  	vm3 =	veq.f32 v19, v7  }
0xea: {  	vm4 =	vlt.f32 v19, v7;
	v8 =	vnsel vm3, $0x40000000, v17  }
0xeb: {  	vm5 =	vlt.f32 v20, v7;
	vm6 =	veq.f32 v20, v7;
	vm7 =	vlt.s32 v14, v8  }
0xec: {  	vm13 =	veq.f32 v22, v7;
	v11 =	vnsel vm6, $0x40000000, v18;
	v8 =	vsel vm7, v14, v8  }
0xed: {  	v12 =	vsel vm1, $0x1, v2;
	v13 =	vnsel vm2, $0xFF61B1E6, v22;
	vm14 =	vlt.s32 v8, v11  }
0xee: {  	v57 =	vnsel vm1, $0x40000000, v16;
	v56 =	vnsel vm13, $0x40000000, v15;
	v8 =	vsel vm14, v8, v11  }
0xef: {  	v55 =	vsel vm13, $0x1, v2;
	v58 =	vsel vm6, $0x1, v2;
	vm15 =	vlt.s32 v8, v56  }
0xf0: {  	v59 =	vsel vm3, $0x1, v2;
	v60 =	vnsel vm5, $0xFF61B1E6, v20;
	v8 =	vsel vm15, v8, v56  }
0xf1: {  	v61 =	vnsel vm4, $0xFF61B1E6, v19;
	v10 =	vadd.s32 v59, v10;
	vm1 =	vlt.s32 v8, v57  }
0xf2: {  	v9 =	vmax.f32 v9, v61;
	v10 =	vadd.s32 v58, v10;
	v8 =	vsel vm1, v8, v57  }
0xf3: {  	v9 =	vmax.f32 v9, v60;
	v10 =	vadd.s32 v55, v10;
	v8 =	vxor.u32 $0x80000000, v8  }
0xf4: {  	v62 =	vnsel vm0, $0xFF61B1E6, v21;
	v9 =	vmax.f32 v9, v13;
	v10 =	vadd.s32 v12, v10;
	(xrf0) =	vmin.scan.msk.u32 $0xffff, v8  }
0xf5: {  	v8 =	vmax.f32 v9, v62;
	(xrf0) =	vadd.scan.msk.s32 $0xffff, v10  }
0xf6: {  	(xrf0) =	vmax.scan.msk.f32 $0xffff, v8;
	_ =	sdelay $0x3  }
0xf7: {  	v8, _, _ =	vpop (xrf0)  }
0xf8: {  	v63, _, _ =	vpop (xrf0);
	(v2sf) =	vpush v8, $0xF  }
0xf9: {  	(v2sf) =	vpush v63, $0xF;
	v8, _, _ =	vpop (xrf0)  }
0xfa: {  	(v2sf) =	vpush v8, $0xF;
	_ =	sdelay $0xb  }
.Ltmp8:
0xfb: {  	_ = 	snop;
	(pc) =	sbr.rel .LBB2_11-.Ltmp8, $4  }
0xfc: {  	s22 =	spop (v2sf)  }
0xfd: {  	s23 =	spop (v2sf)  }
0xfe: {  	p0 =	sgt.s32 s23, $0x1;
	s23 =	spop (v2sf)  }
0xff: {  	s22 =	sxor.u32 $0x80000000, s22;
	s23 =	smov.u32 @p0 s19  }
.LBB2_13:
0x100: {  	_ =	sfence.sel $0x180000  }
0x101: {  	[bflag:$0x0] =	sbarrier.arrive $0xFFFF  }
0x102: {  	p0 =	sne.s32 s1, $0x0;
	_ =	strace $0x90000047  }
0x103: {  	s0 =	sadd.s32 @!p0 $0x100000, s0;
	[bflag:$0x2] =	sbarrier.arrive $0xFFFF  }
0x104: {  	[sflag:s0] =	ssyncadd.tile.s32 @!p0 $0x1;
	_ =	shalt  }
.Lfunc_end2:
_tile_overlayer_lowered:
.L_overlay_start_2:
0x105: {  	(tag) =	ssettag $0x2  }
0x106: {  	s0 =	rddreg [dreg:$0x0];
	s2 =	stileid.u32  }
0x107: {  	s1 =	rddreg [dreg:$0x1];
	p0 =	sne.s32 s2, $0x0  }
0x108: {  	s3 =	rddreg [dreg:$0x2];
	[bflag:$0x3] =	sbarrier.arrive $0xFFFF;
	s2 =	simm.s32 @!p0 $0x1C01  }
0x109: {  	[timem:s3], [sflag:s2] =	dma.local @!p0 [hbm:s0], s1  }
0x10a: {  	s0 =	simm.s32 @!p0 $0x1  }
0x10b: {  	_ =	swait.ge @!p0 [sflag:s0], s1  }
0x10c: {  	s1 =	ssub.s32 @!p0 $0x0, s1;
	[sflag:s0] =	ssyncset.done @!p0 $0x0  }
0x10d: {  	[sflag:s0] =	ssyncadd.s32 @!p0 s1  }
0x10e: {  	[bflag:$0x3] =	sbarrier.arrive $0xFFFF  }
0x10f: {  	_ =	shalt  }

</sc_bundles>
